<compile_context>
chip_gen: v7x
topology: tpu7x:2x2x1
jax: 0.10.2.dev20260603
libtpu: 0.0.44.dev20260713+nightly
codegen_flags: <defaults>
</compile_context>

<pallas_src>
import functools

import jax
import jax.numpy as jnp
from jax import lax
from jax.experimental import pallas as pl
from jax.experimental.pallas import tpu as pltpu
from jax.experimental.pallas import tpu_sc as plsc

N_NODES = 10000
N_EDGES = 320000
D_FEAT = 128

NC = 2
NS = 16
NW = NC * NS
EDGES_PER_TILE = N_EDGES // NW
CHUNK = 40
NFULL = EDGES_PER_TILE // CHUNK
ROWS_PER_TILE = 640
N_PAD = NS * ROWS_PER_TILE


def _sc_segment_sum(x, edges, zeros):
    mesh = plsc.VectorSubcoreMesh(core_axis_name="c", subcore_axis_name="s")

    @functools.partial(
        pl.kernel,
        mesh=mesh,
        out_type=jax.ShapeDtypeStruct((NC, N_PAD, D_FEAT), jnp.float32),
        scratch_types=[
            pltpu.VMEM_SHARED((N_PAD, D_FEAT), jnp.float32),
            pltpu.VMEM((EDGES_PER_TILE,), jnp.int32),
            pltpu.VMEM((CHUNK,), jnp.int32),
            pltpu.VMEM((CHUNK,), jnp.int32),
            pltpu.VMEM((CHUNK,), jnp.int32),
            pltpu.VMEM((CHUNK,), jnp.int32),
            pltpu.VMEM((CHUNK,), jnp.int32),
            pltpu.VMEM((CHUNK, D_FEAT), jnp.float32),
            pltpu.VMEM((CHUNK, D_FEAT), jnp.float32),
            pltpu.VMEM((CHUNK, D_FEAT), jnp.float32),
            pltpu.VMEM((CHUNK, D_FEAT), jnp.float32),
            pltpu.VMEM((CHUNK, D_FEAT), jnp.float32),
            pltpu.SemaphoreType.DMA,
            pltpu.SemaphoreType.DMA,
            pltpu.SemaphoreType.DMA,
            pltpu.SemaphoreType.DMA,
            pltpu.SemaphoreType.DMA,
            pltpu.SemaphoreType.DMA,
            pltpu.SemaphoreType.DMA,
            pltpu.SemaphoreType.DMA,
            pltpu.SemaphoreType.DMA,
            pltpu.SemaphoreType.DMA,
            pltpu.SemaphoreType.DMA,
        ],
    )
    def k(x_hbm, edges_hbm, zeros_hbm, out_hbm, acc_sh, sidx, dd0, dd1, dd2,
          dd3, dd4, r0, r1, r2, r3, r4, semi, g0, g1, g2, g3, g4,
          d0, d1, d2, d3, d4):
        cid = lax.axis_index("c")
        sid = lax.axis_index("s")
        wid = cid * NS + sid
        slab = pl.ds(sid * ROWS_PER_TILE, ROWS_PER_TILE)
        ebase = wid * EDGES_PER_TILE

        def didx_c(i):
            return edges_hbm.at[pl.ds(N_EDGES + ebase + i * CHUNK, CHUNK)]

        def sidx_c(i):
            return sidx.at[pl.ds(i * CHUNK, CHUNK)]

        pltpu.async_copy(didx_c(0), dd0, d0)
        pltpu.async_copy(didx_c(1), dd1, d1)
        pltpu.async_copy(didx_c(2), dd2, d2)
        pltpu.async_copy(didx_c(3), dd3, d3)
        pltpu.async_copy(didx_c(4), dd4, d4)
        pltpu.async_copy(edges_hbm.at[pl.ds(ebase, EDGES_PER_TILE)], sidx,
                         semi)
        pltpu.sync_copy(zeros_hbm, acc_sh.at[slab])
        pltpu.make_async_copy(edges_hbm.at[pl.ds(ebase, EDGES_PER_TILE)],
                              sidx, semi).wait()

        pltpu.async_copy(x_hbm.at[sidx_c(0)], r0, g0)
        pltpu.async_copy(x_hbm.at[sidx_c(1)], r1, g1)
        pltpu.async_copy(x_hbm.at[sidx_c(2)], r2, g2)
        pltpu.async_copy(x_hbm.at[sidx_c(3)], r3, g3)
        pltpu.async_copy(x_hbm.at[sidx_c(4)], r4, g4)
        plsc.subcore_barrier()

        bufs = ((r0, dd0, g0, d0), (r1, dd1, g1, d1), (r2, dd2, g2, d2),
                (r3, dd3, g3, d3), (r4, dd4, g4, d4))

        def stage(c, rb, ddb, gb, db, launch):
            pltpu.make_async_copy(x_hbm.at[sidx_c(c)], rb, gb).wait()
            pltpu.make_async_copy(didx_c(c), ddb, db).wait()
            pltpu.sync_copy(rb, acc_sh.at[ddb], add=True)
            if launch:
                pltpu.async_copy(didx_c(c + 5), ddb, db)
                pltpu.async_copy(x_hbm.at[sidx_c(c + 5)], rb, gb)

        def body(t, carry):
            i = 5 * t
            for b, (rb, ddb, gb, db) in enumerate(bufs):
                stage(i + b, rb, ddb, gb, db, True)
            return carry

        lax.fori_loop(0, NFULL // 5 - 1, body, 0)
        stage(NFULL - 5, r0, dd0, g0, d0, False)
        stage(NFULL - 4, r1, dd1, g1, d1, False)
        stage(NFULL - 3, r2, dd2, g2, d2, False)
        stage(NFULL - 2, r3, dd3, g3, d3, False)
        stage(NFULL - 1, r4, dd4, g4, d4, False)
        plsc.subcore_barrier()
        pltpu.sync_copy(acc_sh.at[slab], out_hbm.at[cid, slab])

    return k(x, edges, zeros)


BLK_ROWS = 1000


def _tc_xs(x, Wst):

    def body(x_ref, wst_ref, o_ref):
        o_ref[...] = jnp.dot(x_ref[...], wst_ref[...],
                             preferred_element_type=jnp.float32)

    return pl.pallas_call(
        body,
        grid=(N_NODES // BLK_ROWS,),
        in_specs=[
            pl.BlockSpec((BLK_ROWS, D_FEAT), lambda i: (i, 0)),
            pl.BlockSpec((D_FEAT, D_FEAT), lambda i: (0, 0)),
        ],
        out_specs=pl.BlockSpec((BLK_ROWS, D_FEAT), lambda i: (i, 0)),
        out_shape=jax.ShapeDtypeStruct((N_NODES, D_FEAT), jnp.float32),
    )(x, Wst)


def _tc_final(xs, partials, Wnt):

    def body(xs_ref, p_ref, wnt_ref, o_ref):
        agg = p_ref[0] + p_ref[1]
        z = xs_ref[...] + jnp.dot(agg, wnt_ref[...],
                                  preferred_element_type=jnp.float32)
        o_ref[...] = 0.5 * z * (1.0 + lax.erf(z * 0.7071067811865476))

    return pl.pallas_call(
        body,
        grid=(N_NODES // BLK_ROWS,),
        in_specs=[
            pl.BlockSpec((BLK_ROWS, D_FEAT), lambda i: (i, 0)),
            pl.BlockSpec((NC, BLK_ROWS, D_FEAT), lambda i: (0, i, 0)),
            pl.BlockSpec((D_FEAT, D_FEAT), lambda i: (0, 0)),
        ],
        out_specs=pl.BlockSpec((BLK_ROWS, D_FEAT), lambda i: (i, 0)),
        out_shape=jax.ShapeDtypeStruct((N_NODES, D_FEAT), jnp.float32),
    )(xs, partials, Wnt)


def kernel(x, edge_index, W_s, W_n):
    edges = edge_index.astype(jnp.int32).reshape(2 * N_EDGES)
    zeros = jnp.zeros((ROWS_PER_TILE, D_FEAT), jnp.float32)
    xs = _tc_xs(x, W_s.T)
    partials = _sc_segment_sum(x, edges, zeros)
    return _tc_final(xs, partials, W_n.T)

# --- scband reference (transcript-rebuilt; emitter-appended) ---
"""Pipeline reference for scband-csnn-84834194030859 (READ-ONLY COPY).

The authoritative reference and input builder live on the scoring server;
editing this copy changes nothing except your own understanding.
"""

import jax, jax.numpy as jnp
import numpy as np

N_NODES = 10000
N_EDGES = 320000
D_FEAT = 128


def setup_inputs(seed: int = 0) -> dict:
    key = jax.random.key(seed)
    k_x, k_ei, k_ws, k_wn = jax.random.split(key, 4)
    x = jax.random.normal(k_x, (N_NODES, D_FEAT), dtype=jnp.float32)
    edge_index = jax.random.randint(k_ei, (2, N_EDGES), 0, N_NODES, dtype=jnp.int64 if jax.config.jax_enable_x64 else jnp.int32)
    # Linear layers without bias: weight shape [out_channels, in_channels] (torch convention)
    scale = 1.0 / np.sqrt(D_FEAT)
    W_s = jax.random.uniform(k_ws, (D_FEAT, D_FEAT), dtype=jnp.float32, minval=-scale, maxval=scale)
    W_n = jax.random.uniform(k_wn, (D_FEAT, D_FEAT), dtype=jnp.float32, minval=-scale, maxval=scale)
    return {"x": x, "edge_index": edge_index, "W_s": W_s, "W_n": W_n}


def reference(x, edge_index, W_s, W_n):
    # PyG MessagePassing with flow='source_to_target', aggr='add':
    #   messages are x_j = x[edge_index[0]] (source nodes),
    #   aggregated (sum) at edge_index[1] (destination nodes).
    src = edge_index[0]
    dst = edge_index[1]
    msgs = jnp.take(x, src, axis=0)                       # gather  [E, d]
    agg = jax.ops.segment_sum(msgs, dst, num_segments=x.shape[0])  # scatter-add [N, d]
    out = x @ W_s.T + agg @ W_n.T
    # torch F.gelu default is exact (erf-based)
    return jax.nn.gelu(out, approximate=False)

if __name__ == "__main__":
    import jax
    _d = setup_inputs()
    print(jax.jit(kernel)(*tuple(_d.values())))

</pallas_src>

<mosaic_0001>
#map = affine_map<(d0, d1) -> (0, 0)>
#map1 = affine_map<(d0, d1) -> (0)>
#map2 = affine_map<(d0, d1) -> (0, 0, 0)>
module attributes {stable_mosaic.version = 14 : i64} {
  func.func @k(%arg0: i32, %arg1: i32, %arg2: memref<10000x128xf32, #tpu.memory_space<hbm>>, %arg3: memref<640000xi32, #tpu.memory_space<hbm>>, %arg4: memref<640x128xf32, #tpu.memory_space<hbm>>, %arg5: memref<2x10240x128xf32, #tpu.memory_space<hbm>>, %arg6: memref<10240x128xf32, #tpu.memory_space<vmem_shared>>, %arg7: memref<10000xi32, #tpu.memory_space<vmem>>, %arg8: memref<40xi32, #tpu.memory_space<vmem>>, %arg9: memref<40xi32, #tpu.memory_space<vmem>>, %arg10: memref<40xi32, #tpu.memory_space<vmem>>, %arg11: memref<40xi32, #tpu.memory_space<vmem>>, %arg12: memref<40xi32, #tpu.memory_space<vmem>>, %arg13: memref<40x128xf32, #tpu.memory_space<vmem>>, %arg14: memref<40x128xf32, #tpu.memory_space<vmem>>, %arg15: memref<40x128xf32, #tpu.memory_space<vmem>>, %arg16: memref<40x128xf32, #tpu.memory_space<vmem>>, %arg17: memref<40x128xf32, #tpu.memory_space<vmem>>, %arg18: memref<!tpu.dma_semaphore, #tpu.memory_space<semaphore_mem>>, %arg19: memref<!tpu.dma_semaphore, #tpu.memory_space<semaphore_mem>>, %arg20: memref<!tpu.dma_semaphore, #tpu.memory_space<semaphore_mem>>, %arg21: memref<!tpu.dma_semaphore, #tpu.memory_space<semaphore_mem>>, %arg22: memref<!tpu.dma_semaphore, #tpu.memory_space<semaphore_mem>>, %arg23: memref<!tpu.dma_semaphore, #tpu.memory_space<semaphore_mem>>, %arg24: memref<!tpu.dma_semaphore, #tpu.memory_space<semaphore_mem>>, %arg25: memref<!tpu.dma_semaphore, #tpu.memory_space<semaphore_mem>>, %arg26: memref<!tpu.dma_semaphore, #tpu.memory_space<semaphore_mem>>, %arg27: memref<!tpu.dma_semaphore, #tpu.memory_space<semaphore_mem>>, %arg28: memref<!tpu.dma_semaphore, #tpu.memory_space<semaphore_mem>>) attributes {dimension_semantics = [#tpu.dimension_semantics<core_parallel>, #tpu.dimension_semantics<subcore_parallel>], iteration_bounds = array<i64: 2, 16>, scalar_prefetch = 0 : i64, scratch_operands = 23 : i64, tpu.core_type = #tpu.core_type<sc_vector_subcore>, window_params = [{transform_indices = #map}, {transform_indices = #map1}, {transform_indices = #map}, {transform_indices = #map2}]} {
    %mul3A = arith.constant 16 : i32
    %mul3A_0 = arith.muli %arg0, %mul3A : i32
    %add3A = arith.addi %mul3A_0, %arg1 : i32
    %mul3A_1 = arith.constant 640 : i32
    %mul3A_2 = arith.muli %arg1, %mul3A_1 : i32
    %mul3A_3 = arith.constant 10000 : i32
    %mul3A_4 = arith.muli %add3A, %mul3A_3 : i32
    %add3A_5 = arith.constant 320000 : i32
    %add3A_6 = arith.addi %add3A_5, %mul3A_4 : i32
    %add3A_7 = arith.constant 0 : i32
    %add3A_8 = arith.addi %add3A_6, %add3A_7 : i32
    %dma_start3A = tpu.memref_slice %arg3[%add3A_8] : memref<640000xi32, #tpu.memory_space<hbm>> -> memref<40xi32, #tpu.memory_space<hbm>>
    %dma_start3A_9 = tpu.memref_slice %arg3[%add3A_8] : memref<640000xi32, #tpu.memory_space<hbm>> -> memref<40xi32, #tpu.memory_space<hbm>>
    tpu.enqueue_dma source(%dma_start3A_9 : memref<40xi32, #tpu.memory_space<hbm>>) target(%arg8 : memref<40xi32, #tpu.memory_space<vmem>>) target_semaphore(%arg24 : memref<!tpu.dma_semaphore, #tpu.memory_space<semaphore_mem>>)
    %add3A_10 = arith.constant 320000 : i32
    %add3A_11 = arith.addi %add3A_10, %mul3A_4 : i32
    %add3A_12 = arith.constant 40 : i32
    %add3A_13 = arith.addi %add3A_11, %add3A_12 : i32
    %dma_start3A_14 = tpu.memref_slice %arg3[%add3A_13] : memref<640000xi32, #tpu.memory_space<hbm>> -> memref<40xi32, #tpu.memory_space<hbm>>
    %dma_start3A_15 = tpu.memref_slice %arg3[%add3A_13] : memref<640000xi32, #tpu.memory_space<hbm>> -> memref<40xi32, #tpu.memory_space<hbm>>
    tpu.enqueue_dma source(%dma_start3A_15 : memref<40xi32, #tpu.memory_space<hbm>>) target(%arg9 : memref<40xi32, #tpu.memory_space<vmem>>) target_semaphore(%arg25 : memref<!tpu.dma_semaphore, #tpu.memory_space<semaphore_mem>>)
    %add3A_16 = arith.constant 320000 : i32
    %add3A_17 = arith.addi %add3A_16, %mul3A_4 : i32
    %add3A_18 = arith.constant 80 : i32
    %add3A_19 = arith.addi %add3A_17, %add3A_18 : i32
    %dma_start3A_20 = tpu.memref_slice %arg3[%add3A_19] : memref<640000xi32, #tpu.memory_space<hbm>> -> memref<40xi32, #tpu.memory_space<hbm>>
    %dma_start3A_21 = tpu.memref_slice %arg3[%add3A_19] : memref<640000xi32, #tpu.memory_space<hbm>> -> memref<40xi32, #tpu.memory_space<hbm>>
    tpu.enqueue_dma source(%dma_start3A_21 : memref<40xi32, #tpu.memory_space<hbm>>) target(%arg10 : memref<40xi32, #tpu.memory_space<vmem>>) target_semaphore(%arg26 : memref<!tpu.dma_semaphore, #tpu.memory_space<semaphore_mem>>)
    %add3A_22 = arith.constant 320000 : i32
    %add3A_23 = arith.addi %add3A_22, %mul3A_4 : i32
    %add3A_24 = arith.constant 120 : i32
    %add3A_25 = arith.addi %add3A_23, %add3A_24 : i32
    %dma_start3A_26 = tpu.memref_slice %arg3[%add3A_25] : memref<640000xi32, #tpu.memory_space<hbm>> -> memref<40xi32, #tpu.memory_space<hbm>>
    %dma_start3A_27 = tpu.memref_slice %arg3[%add3A_25] : memref<640000xi32, #tpu.memory_space<hbm>> -> memref<40xi32, #tpu.memory_space<hbm>>
    tpu.enqueue_dma source(%dma_start3A_27 : memref<40xi32, #tpu.memory_space<hbm>>) target(%arg11 : memref<40xi32, #tpu.memory_space<vmem>>) target_semaphore(%arg27 : memref<!tpu.dma_semaphore, #tpu.memory_space<semaphore_mem>>)
    %add3A_28 = arith.constant 320000 : i32
    %add3A_29 = arith.addi %add3A_28, %mul3A_4 : i32
    %add3A_30 = arith.constant 160 : i32
    %add3A_31 = arith.addi %add3A_29, %add3A_30 : i32
    %dma_start3A_32 = tpu.memref_slice %arg3[%add3A_31] : memref<640000xi32, #tpu.memory_space<hbm>> -> memref<40xi32, #tpu.memory_space<hbm>>
    %dma_start3A_33 = tpu.memref_slice %arg3[%add3A_31] : memref<640000xi32, #tpu.memory_space<hbm>> -> memref<40xi32, #tpu.memory_space<hbm>>
    tpu.enqueue_dma source(%dma_start3A_33 : memref<40xi32, #tpu.memory_space<hbm>>) target(%arg12 : memref<40xi32, #tpu.memory_space<vmem>>) target_semaphore(%arg28 : memref<!tpu.dma_semaphore, #tpu.memory_space<semaphore_mem>>)
    %dma_start3A_34 = tpu.memref_slice %arg3[%mul3A_4] : memref<640000xi32, #tpu.memory_space<hbm>> -> memref<10000xi32, #tpu.memory_space<hbm>>
    %dma_start3A_35 = tpu.memref_slice %arg3[%mul3A_4] : memref<640000xi32, #tpu.memory_space<hbm>> -> memref<10000xi32, #tpu.memory_space<hbm>>
    tpu.enqueue_dma source(%dma_start3A_35 : memref<10000xi32, #tpu.memory_space<hbm>>) target(%arg7 : memref<10000xi32, #tpu.memory_space<vmem>>) target_semaphore(%arg18 : memref<!tpu.dma_semaphore, #tpu.memory_space<semaphore_mem>>)
    "tpu.region"() ({
      %run_scoped3A = tpu.sem_alloc : memref<!tpu.dma_semaphore, #tpu.memory_space<semaphore_mem>>
      %dma_start3A_123 = arith.constant 0 : i32
      %dma_start3A_124 = tpu.memref_slice %arg6[%mul3A_2, %dma_start3A_123] : memref<10240x128xf32, #tpu.memory_space<vmem_shared>> -> memref<640x128xf32, #tpu.memory_space<vmem_shared>>
      tpu.enqueue_dma source(%arg4 : memref<640x128xf32, #tpu.memory_space<hbm>>) target(%dma_start3A_124 : memref<640x128xf32, #tpu.memory_space<vmem_shared>>) target_semaphore(%run_scoped3A : memref<!tpu.dma_semaphore, #tpu.memory_space<semaphore_mem>>)
      %dma_wait3A_125 = arith.constant 0 : i32
      %dma_wait3A_126 = tpu.memref_slice %arg6[%mul3A_2, %dma_wait3A_125] : memref<10240x128xf32, #tpu.memory_space<vmem_shared>> -> memref<640x128xf32, #tpu.memory_space<vmem_shared>>
      tpu.wait_dma2 semaphore(%run_scoped3A : memref<!tpu.dma_semaphore, #tpu.memory_space<semaphore_mem>>) src(%arg4 : memref<640x128xf32, #tpu.memory_space<hbm>>) dst(%dma_wait3A_126 : memref<640x128xf32, #tpu.memory_space<vmem_shared>>)
      tpu.yield
    }) : () -> ()
    %dma_wait3A = tpu.memref_slice %arg3[%mul3A_4] : memref<640000xi32, #tpu.memory_space<hbm>> -> memref<10000xi32, #tpu.memory_space<hbm>>
    %dma_wait3A_36 = tpu.memref_slice %arg3[%mul3A_4] : memref<640000xi32, #tpu.memory_space<hbm>> -> memref<10000xi32, #tpu.memory_space<hbm>>
    tpu.wait_dma2 semaphore(%arg18 : memref<!tpu.dma_semaphore, #tpu.memory_space<semaphore_mem>>) src(%dma_wait3A_36 : memref<10000xi32, #tpu.memory_space<hbm>>) dst(%arg7 : memref<10000xi32, #tpu.memory_space<vmem>>)
    %dma_start3A_37 = arith.constant 0 : i32
    %dma_start3A_38 = tpu.memref_slice %arg7[%dma_start3A_37] : memref<10000xi32, #tpu.memory_space<vmem>> -> memref<40xi32, #tpu.memory_space<vmem>>
    %dma_start3A_39 = arith.constant 0 : i32
    %dma_start3A_40 = arith.constant 0 : i32
    %dma_start3A_41 = tpu.memref_slice %arg2[%dma_start3A_39, %dma_start3A_40] : memref<10000x128xf32, #tpu.memory_space<hbm>> -> memref<10000x128xf32, #tpu.memory_space<hbm>>
    tpu.enqueue_indirect_dma source(%dma_start3A_41 : memref<10000x128xf32, #tpu.memory_space<hbm>>) target(%arg13 : memref<40x128xf32, #tpu.memory_space<vmem>>) offsets(%dma_start3A_38 : memref<40xi32, #tpu.memory_space<vmem>>) semaphore(%arg19 : memref<!tpu.dma_semaphore, #tpu.memory_space<semaphore_mem>>)
    %dma_start3A_42 = arith.constant 40 : i32
    %dma_start3A_43 = tpu.memref_slice %arg7[%dma_start3A_42] : memref<10000xi32, #tpu.memory_space<vmem>> -> memref<40xi32, #tpu.memory_space<vmem>>
    %dma_start3A_44 = arith.constant 0 : i32
    %dma_start3A_45 = arith.constant 0 : i32
    %dma_start3A_46 = tpu.memref_slice %arg2[%dma_start3A_44, %dma_start3A_45] : memref<10000x128xf32, #tpu.memory_space<hbm>> -> memref<10000x128xf32, #tpu.memory_space<hbm>>
    tpu.enqueue_indirect_dma source(%dma_start3A_46 : memref<10000x128xf32, #tpu.memory_space<hbm>>) target(%arg14 : memref<40x128xf32, #tpu.memory_space<vmem>>) offsets(%dma_start3A_43 : memref<40xi32, #tpu.memory_space<vmem>>) semaphore(%arg20 : memref<!tpu.dma_semaphore, #tpu.memory_space<semaphore_mem>>)
    %dma_start3A_47 = arith.constant 80 : i32
    %dma_start3A_48 = tpu.memref_slice %arg7[%dma_start3A_47] : memref<10000xi32, #tpu.memory_space<vmem>> -> memref<40xi32, #tpu.memory_space<vmem>>
    %dma_start3A_49 = arith.constant 0 : i32
    %dma_start3A_50 = arith.constant 0 : i32
    %dma_start3A_51 = tpu.memref_slice %arg2[%dma_start3A_49, %dma_start3A_50] : memref<10000x128xf32, #tpu.memory_space<hbm>> -> memref<10000x128xf32, #tpu.memory_space<hbm>>
    tpu.enqueue_indirect_dma source(%dma_start3A_51 : memref<10000x128xf32, #tpu.memory_space<hbm>>) target(%arg15 : memref<40x128xf32, #tpu.memory_space<vmem>>) offsets(%dma_start3A_48 : memref<40xi32, #tpu.memory_space<vmem>>) semaphore(%arg21 : memref<!tpu.dma_semaphore, #tpu.memory_space<semaphore_mem>>)
    %dma_start3A_52 = arith.constant 120 : i32
    %dma_start3A_53 = tpu.memref_slice %arg7[%dma_start3A_52] : memref<10000xi32, #tpu.memory_space<vmem>> -> memref<40xi32, #tpu.memory_space<vmem>>
    %dma_start3A_54 = arith.constant 0 : i32
    %dma_start3A_55 = arith.constant 0 : i32
    %dma_start3A_56 = tpu.memref_slice %arg2[%dma_start3A_54, %dma_start3A_55] : memref<10000x128xf32, #tpu.memory_space<hbm>> -> memref<10000x128xf32, #tpu.memory_space<hbm>>
    tpu.enqueue_indirect_dma source(%dma_start3A_56 : memref<10000x128xf32, #tpu.memory_space<hbm>>) target(%arg16 : memref<40x128xf32, #tpu.memory_space<vmem>>) offsets(%dma_start3A_53 : memref<40xi32, #tpu.memory_space<vmem>>) semaphore(%arg22 : memref<!tpu.dma_semaphore, #tpu.memory_space<semaphore_mem>>)
    %dma_start3A_57 = arith.constant 160 : i32
    %dma_start3A_58 = tpu.memref_slice %arg7[%dma_start3A_57] : memref<10000xi32, #tpu.memory_space<vmem>> -> memref<40xi32, #tpu.memory_space<vmem>>
    %dma_start3A_59 = arith.constant 0 : i32
    %dma_start3A_60 = arith.constant 0 : i32
    %dma_start3A_61 = tpu.memref_slice %arg2[%dma_start3A_59, %dma_start3A_60] : memref<10000x128xf32, #tpu.memory_space<hbm>> -> memref<10000x128xf32, #tpu.memory_space<hbm>>
    tpu.enqueue_indirect_dma source(%dma_start3A_61 : memref<10000x128xf32, #tpu.memory_space<hbm>>) target(%arg17 : memref<40x128xf32, #tpu.memory_space<vmem>>) offsets(%dma_start3A_58 : memref<40xi32, #tpu.memory_space<vmem>>) semaphore(%arg23 : memref<!tpu.dma_semaphore, #tpu.memory_space<semaphore_mem>>)
    %barrier3A = arith.constant 0 : index
    tpu.barrier barrier_id(%barrier3A)
    %scan3A = arith.constant 0 : i32
    %scan3A_62 = arith.constant 0 : i32
    %scan3A_63 = arith.constant 49 : i32
    %scan3A_64 = arith.addi %scan3A_62, %scan3A_63 : i32
    %scan3A_65 = arith.constant 1 : i32
    scf.for %scan3A_123 = %scan3A_62 to %scan3A_64 step %scan3A_65  : i32 {
      %mul3A_124 = arith.constant 5 : i32
      %mul3A_125 = arith.muli %mul3A_124, %scan3A_123 : i32
      %add3A_126 = arith.constant 0 : i32
      %add3A_127 = arith.addi %mul3A_125, %add3A_126 : i32
      %mul3A_128 = arith.constant 40 : i32
      %mul3A_129 = arith.muli %add3A_127, %mul3A_128 : i32
      %dma_wait3A_130 = tpu.memref_slice %arg7[%mul3A_129] : memref<10000xi32, #tpu.memory_space<vmem>> -> memref<40xi32, #tpu.memory_space<vmem>>
      %dma_wait3A_131 = arith.constant 0 : i32
      %dma_wait3A_132 = arith.constant 0 : i32
      %dma_wait3A_133 = tpu.memref_slice %arg2[%dma_wait3A_131, %dma_wait3A_132] : memref<10000x128xf32, #tpu.memory_space<hbm>> -> memref<10000x128xf32, #tpu.memory_space<hbm>>
      tpu.wait_indirect_dma semaphore(%arg19 : memref<!tpu.dma_semaphore, #tpu.memory_space<semaphore_mem>>) src(%dma_wait3A_133 : memref<10000x128xf32, #tpu.memory_space<hbm>>) dst(%arg13 : memref<40x128xf32, #tpu.memory_space<vmem>>)
      %add3A_134 = arith.constant 320000 : i32
      %add3A_135 = arith.addi %add3A_134, %mul3A_4 : i32
      %mul3A_136 = arith.constant 40 : i32
      %mul3A_137 = arith.muli %add3A_127, %mul3A_136 : i32
      %add3A_138 = arith.addi %add3A_135, %mul3A_137 : i32
      %dma_wait3A_139 = tpu.memref_slice %arg3[%add3A_138] : memref<640000xi32, #tpu.memory_space<hbm>> -> memref<40xi32, #tpu.memory_space<hbm>>
      %dma_wait3A_140 = tpu.memref_slice %arg3[%add3A_138] : memref<640000xi32, #tpu.memory_space<hbm>> -> memref<40xi32, #tpu.memory_space<hbm>>
      tpu.wait_dma2 semaphore(%arg24 : memref<!tpu.dma_semaphore, #tpu.memory_space<semaphore_mem>>) src(%dma_wait3A_140 : memref<40xi32, #tpu.memory_space<hbm>>) dst(%arg8 : memref<40xi32, #tpu.memory_space<vmem>>)
      "tpu.region"() ({
        %run_scoped3A = tpu.sem_alloc : memref<!tpu.dma_semaphore, #tpu.memory_space<semaphore_mem>>
        %dma_start3A_286 = arith.constant 0 : i32
        %dma_start3A_287 = arith.constant 0 : i32
        %dma_start3A_288 = tpu.memref_slice %arg6[%dma_start3A_286, %dma_start3A_287] : memref<10240x128xf32, #tpu.memory_space<vmem_shared>> -> memref<10240x128xf32, #tpu.memory_space<vmem_shared>>
        tpu.enqueue_indirect_dma source(%arg13 : memref<40x128xf32, #tpu.memory_space<vmem>>) target(%dma_start3A_288 : memref<10240x128xf32, #tpu.memory_space<vmem_shared>>) offsets(%arg8 : memref<40xi32, #tpu.memory_space<vmem>>) semaphore(%run_scoped3A : memref<!tpu.dma_semaphore, #tpu.memory_space<semaphore_mem>>) {add = true}
        %dma_wait3A_289 = arith.constant 0 : i32
        %dma_wait3A_290 = arith.constant 0 : i32
        %dma_wait3A_291 = tpu.memref_slice %arg6[%dma_wait3A_289, %dma_wait3A_290] : memref<10240x128xf32, #tpu.memory_space<vmem_shared>> -> memref<10240x128xf32, #tpu.memory_space<vmem_shared>>
        tpu.wait_indirect_dma semaphore(%run_scoped3A : memref<!tpu.dma_semaphore, #tpu.memory_space<semaphore_mem>>) src(%arg13 : memref<40x128xf32, #tpu.memory_space<vmem>>) dst(%dma_wait3A_291 : memref<10240x128xf32, #tpu.memory_space<vmem_shared>>)
        tpu.yield
      }) : () -> ()
      %add3A_141 = arith.constant 5 : i32
      %add3A_142 = arith.addi %add3A_127, %add3A_141 : i32
      %add3A_143 = arith.constant 320000 : i32
      %add3A_144 = arith.addi %add3A_143, %mul3A_4 : i32
      %mul3A_145 = arith.constant 40 : i32
      %mul3A_146 = arith.muli %add3A_142, %mul3A_145 : i32
      %add3A_147 = arith.addi %add3A_144, %mul3A_146 : i32
      %dma_start3A_148 = tpu.memref_slice %arg3[%add3A_147] : memref<640000xi32, #tpu.memory_space<hbm>> -> memref<40xi32, #tpu.memory_space<hbm>>
      %dma_start3A_149 = tpu.memref_slice %arg3[%add3A_147] : memref<640000xi32, #tpu.memory_space<hbm>> -> memref<40xi32, #tpu.memory_space<hbm>>
      tpu.enqueue_dma source(%dma_start3A_149 : memref<40xi32, #tpu.memory_space<hbm>>) target(%arg8 : memref<40xi32, #tpu.memory_space<vmem>>) target_semaphore(%arg24 : memref<!tpu.dma_semaphore, #tpu.memory_space<semaphore_mem>>)
      %add3A_150 = arith.constant 5 : i32
      %add3A_151 = arith.addi %add3A_127, %add3A_150 : i32
      %mul3A_152 = arith.constant 40 : i32
      %mul3A_153 = arith.muli %add3A_151, %mul3A_152 : i32
      %dma_start3A_154 = tpu.memref_slice %arg7[%mul3A_153] : memref<10000xi32, #tpu.memory_space<vmem>> -> memref<40xi32, #tpu.memory_space<vmem>>
      %dma_start3A_155 = arith.constant 0 : i32
      %dma_start3A_156 = arith.constant 0 : i32
      %dma_start3A_157 = tpu.memref_slice %arg2[%dma_start3A_155, %dma_start3A_156] : memref<10000x128xf32, #tpu.memory_space<hbm>> -> memref<10000x128xf32, #tpu.memory_space<hbm>>
      tpu.enqueue_indirect_dma source(%dma_start3A_157 : memref<10000x128xf32, #tpu.memory_space<hbm>>) target(%arg13 : memref<40x128xf32, #tpu.memory_space<vmem>>) offsets(%dma_start3A_154 : memref<40xi32, #tpu.memory_space<vmem>>) semaphore(%arg19 : memref<!tpu.dma_semaphore, #tpu.memory_space<semaphore_mem>>)
      %add3A_158 = arith.constant 1 : i32
      %add3A_159 = arith.addi %mul3A_125, %add3A_158 : i32
      %mul3A_160 = arith.constant 40 : i32
      %mul3A_161 = arith.muli %add3A_159, %mul3A_160 : i32
      %dma_wait3A_162 = tpu.memref_slice %arg7[%mul3A_161] : memref<10000xi32, #tpu.memory_space<vmem>> -> memref<40xi32, #tpu.memory_space<vmem>>
      %dma_wait3A_163 = arith.constant 0 : i32
      %dma_wait3A_164 = arith.constant 0 : i32
      %dma_wait3A_165 = tpu.memref_slice %arg2[%dma_wait3A_163, %dma_wait3A_164] : memref<10000x128xf32, #tpu.memory_space<hbm>> -> memref<10000x128xf32, #tpu.memory_space<hbm>>
      tpu.wait_indirect_dma semaphore(%arg20 : memref<!tpu.dma_semaphore, #tpu.memory_space<semaphore_mem>>) src(%dma_wait3A_165 : memref<10000x128xf32, #tpu.memory_space<hbm>>) dst(%arg14 : memref<40x128xf32, #tpu.memory_space<vmem>>)
      %add3A_166 = arith.constant 320000 : i32
      %add3A_167 = arith.addi %add3A_166, %mul3A_4 : i32
      %mul3A_168 = arith.constant 40 : i32
      %mul3A_169 = arith.muli %add3A_159, %mul3A_168 : i32
      %add3A_170 = arith.addi %add3A_167, %mul3A_169 : i32
      %dma_wait3A_171 = tpu.memref_slice %arg3[%add3A_170] : memref<640000xi32, #tpu.memory_space<hbm>> -> memref<40xi32, #tpu.memory_space<hbm>>
      %dma_wait3A_172 = tpu.memref_slice %arg3[%add3A_170] : memref<640000xi32, #tpu.memory_space<hbm>> -> memref<40xi32, #tpu.memory_space<hbm>>
      tpu.wait_dma2 semaphore(%arg25 : memref<!tpu.dma_semaphore, #tpu.memory_space<semaphore_mem>>) src(%dma_wait3A_172 : memref<40xi32, #tpu.memory_space<hbm>>) dst(%arg9 : memref<40xi32, #tpu.memory_space<vmem>>)
      "tpu.region"() ({
        %run_scoped3A = tpu.sem_alloc : memref<!tpu.dma_semaphore, #tpu.memory_space<semaphore_mem>>
        %dma_start3A_286 = arith.constant 0 : i32
        %dma_start3A_287 = arith.constant 0 : i32
        %dma_start3A_288 = tpu.memref_slice %arg6[%dma_start3A_286, %dma_start3A_287] : memref<10240x128xf32, #tpu.memory_space<vmem_shared>> -> memref<10240x128xf32, #tpu.memory_space<vmem_shared>>
        tpu.enqueue_indirect_dma source(%arg14 : memref<40x128xf32, #tpu.memory_space<vmem>>) target(%dma_start3A_288 : memref<10240x128xf32, #tpu.memory_space<vmem_shared>>) offsets(%arg9 : memref<40xi32, #tpu.memory_space<vmem>>) semaphore(%run_scoped3A : memref<!tpu.dma_semaphore, #tpu.memory_space<semaphore_mem>>) {add = true}
        %dma_wait3A_289 = arith.constant 0 : i32
        %dma_wait3A_290 = arith.constant 0 : i32
        %dma_wait3A_291 = tpu.memref_slice %arg6[%dma_wait3A_289, %dma_wait3A_290] : memref<10240x128xf32, #tpu.memory_space<vmem_shared>> -> memref<10240x128xf32, #tpu.memory_space<vmem_shared>>
        tpu.wait_indirect_dma semaphore(%run_scoped3A : memref<!tpu.dma_semaphore, #tpu.memory_space<semaphore_mem>>) src(%arg14 : memref<40x128xf32, #tpu.memory_space<vmem>>) dst(%dma_wait3A_291 : memref<10240x128xf32, #tpu.memory_space<vmem_shared>>)
        tpu.yield
      }) : () -> ()
      %add3A_173 = arith.constant 5 : i32
      %add3A_174 = arith.addi %add3A_159, %add3A_173 : i32
      %add3A_175 = arith.constant 320000 : i32
      %add3A_176 = arith.addi %add3A_175, %mul3A_4 : i32
      %mul3A_177 = arith.constant 40 : i32
      %mul3A_178 = arith.muli %add3A_174, %mul3A_177 : i32
      %add3A_179 = arith.addi %add3A_176, %mul3A_178 : i32
      %dma_start3A_180 = tpu.memref_slice %arg3[%add3A_179] : memref<640000xi32, #tpu.memory_space<hbm>> -> memref<40xi32, #tpu.memory_space<hbm>>
      %dma_start3A_181 = tpu.memref_slice %arg3[%add3A_179] : memref<640000xi32, #tpu.memory_space<hbm>> -> memref<40xi32, #tpu.memory_space<hbm>>
      tpu.enqueue_dma source(%dma_start3A_181 : memref<40xi32, #tpu.memory_space<hbm>>) target(%arg9 : memref<40xi32, #tpu.memory_space<vmem>>) target_semaphore(%arg25 : memref<!tpu.dma_semaphore, #tpu.memory_space<semaphore_mem>>)
      %add3A_182 = arith.constant 5 : i32
      %add3A_183 = arith.addi %add3A_159, %add3A_182 : i32
      %mul3A_184 = arith.constant 40 : i32
      %mul3A_185 = arith.muli %add3A_183, %mul3A_184 : i32
      %dma_start3A_186 = tpu.memref_slice %arg7[%mul3A_185] : memref<10000xi32, #tpu.memory_space<vmem>> -> memref<40xi32, #tpu.memory_space<vmem>>
      %dma_start3A_187 = arith.constant 0 : i32
      %dma_start3A_188 = arith.constant 0 : i32
      %dma_start3A_189 = tpu.memref_slice %arg2[%dma_start3A_187, %dma_start3A_188] : memref<10000x128xf32, #tpu.memory_space<hbm>> -> memref<10000x128xf32, #tpu.memory_space<hbm>>
      tpu.enqueue_indirect_dma source(%dma_start3A_189 : memref<10000x128xf32, #tpu.memory_space<hbm>>) target(%arg14 : memref<40x128xf32, #tpu.memory_space<vmem>>) offsets(%dma_start3A_186 : memref<40xi32, #tpu.memory_space<vmem>>) semaphore(%arg20 : memref<!tpu.dma_semaphore, #tpu.memory_space<semaphore_mem>>)
      %add3A_190 = arith.constant 2 : i32
      %add3A_191 = arith.addi %mul3A_125, %add3A_190 : i32
      %mul3A_192 = arith.constant 40 : i32
      %mul3A_193 = arith.muli %add3A_191, %mul3A_192 : i32
      %dma_wait3A_194 = tpu.memref_slice %arg7[%mul3A_193] : memref<10000xi32, #tpu.memory_space<vmem>> -> memref<40xi32, #tpu.memory_space<vmem>>
      %dma_wait3A_195 = arith.constant 0 : i32
      %dma_wait3A_196 = arith.constant 0 : i32
      %dma_wait3A_197 = tpu.memref_slice %arg2[%dma_wait3A_195, %dma_wait3A_196] : memref<10000x128xf32, #tpu.memory_space<hbm>> -> memref<10000x128xf32, #tpu.memory_space<hbm>>
      tpu.wait_indirect_dma semaphore(%arg21 : memref<!tpu.dma_semaphore, #tpu.memory_space<semaphore_mem>>) src(%dma_wait3A_197 : memref<10000x128xf32, #tpu.memory_space<hbm>>) dst(%arg15 : memref<40x128xf32, #tpu.memory_space<vmem>>)
      %add3A_198 = arith.constant 320000 : i32
      %add3A_199 = arith.addi %add3A_198, %mul3A_4 : i32
      %mul3A_200 = arith.constant 40 : i32
      %mul3A_201 = arith.muli %add3A_191, %mul3A_200 : i32
      %add3A_202 = arith.addi %add3A_199, %mul3A_201 : i32
      %dma_wait3A_203 = tpu.memref_slice %arg3[%add3A_202] : memref<640000xi32, #tpu.memory_space<hbm>> -> memref<40xi32, #tpu.memory_space<hbm>>
      %dma_wait3A_204 = tpu.memref_slice %arg3[%add3A_202] : memref<640000xi32, #tpu.memory_space<hbm>> -> memref<40xi32, #tpu.memory_space<hbm>>
      tpu.wait_dma2 semaphore(%arg26 : memref<!tpu.dma_semaphore, #tpu.memory_space<semaphore_mem>>) src(%dma_wait3A_204 : memref<40xi32, #tpu.memory_space<hbm>>) dst(%arg10 : memref<40xi32, #tpu.memory_space<vmem>>)
      "tpu.region"() ({
        %run_scoped3A = tpu.sem_alloc : memref<!tpu.dma_semaphore, #tpu.memory_space<semaphore_mem>>
        %dma_start3A_286 = arith.constant 0 : i32
        %dma_start3A_287 = arith.constant 0 : i32
        %dma_start3A_288 = tpu.memref_slice %arg6[%dma_start3A_286, %dma_start3A_287] : memref<10240x128xf32, #tpu.memory_space<vmem_shared>> -> memref<10240x128xf32, #tpu.memory_space<vmem_shared>>
        tpu.enqueue_indirect_dma source(%arg15 : memref<40x128xf32, #tpu.memory_space<vmem>>) target(%dma_start3A_288 : memref<10240x128xf32, #tpu.memory_space<vmem_shared>>) offsets(%arg10 : memref<40xi32, #tpu.memory_space<vmem>>) semaphore(%run_scoped3A : memref<!tpu.dma_semaphore, #tpu.memory_space<semaphore_mem>>) {add = true}
        %dma_wait3A_289 = arith.constant 0 : i32
        %dma_wait3A_290 = arith.constant 0 : i32
        %dma_wait3A_291 = tpu.memref_slice %arg6[%dma_wait3A_289, %dma_wait3A_290] : memref<10240x128xf32, #tpu.memory_space<vmem_shared>> -> memref<10240x128xf32, #tpu.memory_space<vmem_shared>>
        tpu.wait_indirect_dma semaphore(%run_scoped3A : memref<!tpu.dma_semaphore, #tpu.memory_space<semaphore_mem>>) src(%arg15 : memref<40x128xf32, #tpu.memory_space<vmem>>) dst(%dma_wait3A_291 : memref<10240x128xf32, #tpu.memory_space<vmem_shared>>)
        tpu.yield
      }) : () -> ()
      %add3A_205 = arith.constant 5 : i32
      %add3A_206 = arith.addi %add3A_191, %add3A_205 : i32
      %add3A_207 = arith.constant 320000 : i32
      %add3A_208 = arith.addi %add3A_207, %mul3A_4 : i32
      %mul3A_209 = arith.constant 40 : i32
      %mul3A_210 = arith.muli %add3A_206, %mul3A_209 : i32
      %add3A_211 = arith.addi %add3A_208, %mul3A_210 : i32
      %dma_start3A_212 = tpu.memref_slice %arg3[%add3A_211] : memref<640000xi32, #tpu.memory_space<hbm>> -> memref<40xi32, #tpu.memory_space<hbm>>
      %dma_start3A_213 = tpu.memref_slice %arg3[%add3A_211] : memref<640000xi32, #tpu.memory_space<hbm>> -> memref<40xi32, #tpu.memory_space<hbm>>
      tpu.enqueue_dma source(%dma_start3A_213 : memref<40xi32, #tpu.memory_space<hbm>>) target(%arg10 : memref<40xi32, #tpu.memory_space<vmem>>) target_semaphore(%arg26 : memref<!tpu.dma_semaphore, #tpu.memory_space<semaphore_mem>>)
      %add3A_214 = arith.constant 5 : i32
      %add3A_215 = arith.addi %add3A_191, %add3A_214 : i32
      %mul3A_216 = arith.constant 40 : i32
      %mul3A_217 = arith.muli %add3A_215, %mul3A_216 : i32
      %dma_start3A_218 = tpu.memref_slice %arg7[%mul3A_217] : memref<10000xi32, #tpu.memory_space<vmem>> -> memref<40xi32, #tpu.memory_space<vmem>>
      %dma_start3A_219 = arith.constant 0 : i32
      %dma_start3A_220 = arith.constant 0 : i32
      %dma_start3A_221 = tpu.memref_slice %arg2[%dma_start3A_219, %dma_start3A_220] : memref<10000x128xf32, #tpu.memory_space<hbm>> -> memref<10000x128xf32, #tpu.memory_space<hbm>>
      tpu.enqueue_indirect_dma source(%dma_start3A_221 : memref<10000x128xf32, #tpu.memory_space<hbm>>) target(%arg15 : memref<40x128xf32, #tpu.memory_space<vmem>>) offsets(%dma_start3A_218 : memref<40xi32, #tpu.memory_space<vmem>>) semaphore(%arg21 : memref<!tpu.dma_semaphore, #tpu.memory_space<semaphore_mem>>)
      %add3A_222 = arith.constant 3 : i32
      %add3A_223 = arith.addi %mul3A_125, %add3A_222 : i32
      %mul3A_224 = arith.constant 40 : i32
      %mul3A_225 = arith.muli %add3A_223, %mul3A_224 : i32
      %dma_wait3A_226 = tpu.memref_slice %arg7[%mul3A_225] : memref<10000xi32, #tpu.memory_space<vmem>> -> memref<40xi32, #tpu.memory_space<vmem>>
      %dma_wait3A_227 = arith.constant 0 : i32
      %dma_wait3A_228 = arith.constant 0 : i32
      %dma_wait3A_229 = tpu.memref_slice %arg2[%dma_wait3A_227, %dma_wait3A_228] : memref<10000x128xf32, #tpu.memory_space<hbm>> -> memref<10000x128xf32, #tpu.memory_space<hbm>>
      tpu.wait_indirect_dma semaphore(%arg22 : memref<!tpu.dma_semaphore, #tpu.memory_space<semaphore_mem>>) src(%dma_wait3A_229 : memref<10000x128xf32, #tpu.memory_space<hbm>>) dst(%arg16 : memref<40x128xf32, #tpu.memory_space<vmem>>)
      %add3A_230 = arith.constant 320000 : i32
      %add3A_231 = arith.addi %add3A_230, %mul3A_4 : i32
      %mul3A_232 = arith.constant 40 : i32
      %mul3A_233 = arith.muli %add3A_223, %mul3A_232 : i32
      %add3A_234 = arith.addi %add3A_231, %mul3A_233 : i32
      %dma_wait3A_235 = tpu.memref_slice %arg3[%add3A_234] : memref<640000xi32, #tpu.memory_space<hbm>> -> memref<40xi32, #tpu.memory_space<hbm>>
      %dma_wait3A_236 = tpu.memref_slice %arg3[%add3A_234] : memref<640000xi32, #tpu.memory_space<hbm>> -> memref<40xi32, #tpu.memory_space<hbm>>
      tpu.wait_dma2 semaphore(%arg27 : memref<!tpu.dma_semaphore, #tpu.memory_space<semaphore_mem>>) src(%dma_wait3A_236 : memref<40xi32, #tpu.memory_space<hbm>>) dst(%arg11 : memref<40xi32, #tpu.memory_space<vmem>>)
      "tpu.region"() ({
        %run_scoped3A = tpu.sem_alloc : memref<!tpu.dma_semaphore, #tpu.memory_space<semaphore_mem>>
        %dma_start3A_286 = arith.constant 0 : i32
        %dma_start3A_287 = arith.constant 0 : i32
        %dma_start3A_288 = tpu.memref_slice %arg6[%dma_start3A_286, %dma_start3A_287] : memref<10240x128xf32, #tpu.memory_space<vmem_shared>> -> memref<10240x128xf32, #tpu.memory_space<vmem_shared>>
        tpu.enqueue_indirect_dma source(%arg16 : memref<40x128xf32, #tpu.memory_space<vmem>>) target(%dma_start3A_288 : memref<10240x128xf32, #tpu.memory_space<vmem_shared>>) offsets(%arg11 : memref<40xi32, #tpu.memory_space<vmem>>) semaphore(%run_scoped3A : memref<!tpu.dma_semaphore, #tpu.memory_space<semaphore_mem>>) {add = true}
        %dma_wait3A_289 = arith.constant 0 : i32
        %dma_wait3A_290 = arith.constant 0 : i32
        %dma_wait3A_291 = tpu.memref_slice %arg6[%dma_wait3A_289, %dma_wait3A_290] : memref<10240x128xf32, #tpu.memory_space<vmem_shared>> -> memref<10240x128xf32, #tpu.memory_space<vmem_shared>>
        tpu.wait_indirect_dma semaphore(%run_scoped3A : memref<!tpu.dma_semaphore, #tpu.memory_space<semaphore_mem>>) src(%arg16 : memref<40x128xf32, #tpu.memory_space<vmem>>) dst(%dma_wait3A_291 : memref<10240x128xf32, #tpu.memory_space<vmem_shared>>)
        tpu.yield
      }) : () -> ()
      %add3A_237 = arith.constant 5 : i32
      %add3A_238 = arith.addi %add3A_223, %add3A_237 : i32
      %add3A_239 = arith.constant 320000 : i32
      %add3A_240 = arith.addi %add3A_239, %mul3A_4 : i32
      %mul3A_241 = arith.constant 40 : i32
      %mul3A_242 = arith.muli %add3A_238, %mul3A_241 : i32
      %add3A_243 = arith.addi %add3A_240, %mul3A_242 : i32
      %dma_start3A_244 = tpu.memref_slice %arg3[%add3A_243] : memref<640000xi32, #tpu.memory_space<hbm>> -> memref<40xi32, #tpu.memory_space<hbm>>
      %dma_start3A_245 = tpu.memref_slice %arg3[%add3A_243] : memref<640000xi32, #tpu.memory_space<hbm>> -> memref<40xi32, #tpu.memory_space<hbm>>
      tpu.enqueue_dma source(%dma_start3A_245 : memref<40xi32, #tpu.memory_space<hbm>>) target(%arg11 : memref<40xi32, #tpu.memory_space<vmem>>) target_semaphore(%arg27 : memref<!tpu.dma_semaphore, #tpu.memory_space<semaphore_mem>>)
      %add3A_246 = arith.constant 5 : i32
      %add3A_247 = arith.addi %add3A_223, %add3A_246 : i32
      %mul3A_248 = arith.constant 40 : i32
      %mul3A_249 = arith.muli %add3A_247, %mul3A_248 : i32
      %dma_start3A_250 = tpu.memref_slice %arg7[%mul3A_249] : memref<10000xi32, #tpu.memory_space<vmem>> -> memref<40xi32, #tpu.memory_space<vmem>>
      %dma_start3A_251 = arith.constant 0 : i32
      %dma_start3A_252 = arith.constant 0 : i32
      %dma_start3A_253 = tpu.memref_slice %arg2[%dma_start3A_251, %dma_start3A_252] : memref<10000x128xf32, #tpu.memory_space<hbm>> -> memref<10000x128xf32, #tpu.memory_space<hbm>>
      tpu.enqueue_indirect_dma source(%dma_start3A_253 : memref<10000x128xf32, #tpu.memory_space<hbm>>) target(%arg16 : memref<40x128xf32, #tpu.memory_space<vmem>>) offsets(%dma_start3A_250 : memref<40xi32, #tpu.memory_space<vmem>>) semaphore(%arg22 : memref<!tpu.dma_semaphore, #tpu.memory_space<semaphore_mem>>)
      %add3A_254 = arith.constant 4 : i32
      %add3A_255 = arith.addi %mul3A_125, %add3A_254 : i32
      %mul3A_256 = arith.constant 40 : i32
      %mul3A_257 = arith.muli %add3A_255, %mul3A_256 : i32
      %dma_wait3A_258 = tpu.memref_slice %arg7[%mul3A_257] : memref<10000xi32, #tpu.memory_space<vmem>> -> memref<40xi32, #tpu.memory_space<vmem>>
      %dma_wait3A_259 = arith.constant 0 : i32
      %dma_wait3A_260 = arith.constant 0 : i32
      %dma_wait3A_261 = tpu.memref_slice %arg2[%dma_wait3A_259, %dma_wait3A_260] : memref<10000x128xf32, #tpu.memory_space<hbm>> -> memref<10000x128xf32, #tpu.memory_space<hbm>>
      tpu.wait_indirect_dma semaphore(%arg23 : memref<!tpu.dma_semaphore, #tpu.memory_space<semaphore_mem>>) src(%dma_wait3A_261 : memref<10000x128xf32, #tpu.memory_space<hbm>>) dst(%arg17 : memref<40x128xf32, #tpu.memory_space<vmem>>)
      %add3A_262 = arith.constant 320000 : i32
      %add3A_263 = arith.addi %add3A_262, %mul3A_4 : i32
      %mul3A_264 = arith.constant 40 : i32
      %mul3A_265 = arith.muli %add3A_255, %mul3A_264 : i32
      %add3A_266 = arith.addi %add3A_263, %mul3A_265 : i32
      %dma_wait3A_267 = tpu.memref_slice %arg3[%add3A_266] : memref<640000xi32, #tpu.memory_space<hbm>> -> memref<40xi32, #tpu.memory_space<hbm>>
      %dma_wait3A_268 = tpu.memref_slice %arg3[%add3A_266] : memref<640000xi32, #tpu.memory_space<hbm>> -> memref<40xi32, #tpu.memory_space<hbm>>
      tpu.wait_dma2 semaphore(%arg28 : memref<!tpu.dma_semaphore, #tpu.memory_space<semaphore_mem>>) src(%dma_wait3A_268 : memref<40xi32, #tpu.memory_space<hbm>>) dst(%arg12 : memref<40xi32, #tpu.memory_space<vmem>>)
      "tpu.region"() ({
        %run_scoped3A = tpu.sem_alloc : memref<!tpu.dma_semaphore, #tpu.memory_space<semaphore_mem>>
        %dma_start3A_286 = arith.constant 0 : i32
        %dma_start3A_287 = arith.constant 0 : i32
        %dma_start3A_288 = tpu.memref_slice %arg6[%dma_start3A_286, %dma_start3A_287] : memref<10240x128xf32, #tpu.memory_space<vmem_shared>> -> memref<10240x128xf32, #tpu.memory_space<vmem_shared>>
        tpu.enqueue_indirect_dma source(%arg17 : memref<40x128xf32, #tpu.memory_space<vmem>>) target(%dma_start3A_288 : memref<10240x128xf32, #tpu.memory_space<vmem_shared>>) offsets(%arg12 : memref<40xi32, #tpu.memory_space<vmem>>) semaphore(%run_scoped3A : memref<!tpu.dma_semaphore, #tpu.memory_space<semaphore_mem>>) {add = true}
        %dma_wait3A_289 = arith.constant 0 : i32
        %dma_wait3A_290 = arith.constant 0 : i32
        %dma_wait3A_291 = tpu.memref_slice %arg6[%dma_wait3A_289, %dma_wait3A_290] : memref<10240x128xf32, #tpu.memory_space<vmem_shared>> -> memref<10240x128xf32, #tpu.memory_space<vmem_shared>>
        tpu.wait_indirect_dma semaphore(%run_scoped3A : memref<!tpu.dma_semaphore, #tpu.memory_space<semaphore_mem>>) src(%arg17 : memref<40x128xf32, #tpu.memory_space<vmem>>) dst(%dma_wait3A_291 : memref<10240x128xf32, #tpu.memory_space<vmem_shared>>)
        tpu.yield
      }) : () -> ()
      %add3A_269 = arith.constant 5 : i32
      %add3A_270 = arith.addi %add3A_255, %add3A_269 : i32
      %add3A_271 = arith.constant 320000 : i32
      %add3A_272 = arith.addi %add3A_271, %mul3A_4 : i32
      %mul3A_273 = arith.constant 40 : i32
      %mul3A_274 = arith.muli %add3A_270, %mul3A_273 : i32
      %add3A_275 = arith.addi %add3A_272, %mul3A_274 : i32
      %dma_start3A_276 = tpu.memref_slice %arg3[%add3A_275] : memref<640000xi32, #tpu.memory_space<hbm>> -> memref<40xi32, #tpu.memory_space<hbm>>
      %dma_start3A_277 = tpu.memref_slice %arg3[%add3A_275] : memref<640000xi32, #tpu.memory_space<hbm>> -> memref<40xi32, #tpu.memory_space<hbm>>
      tpu.enqueue_dma source(%dma_start3A_277 : memref<40xi32, #tpu.memory_space<hbm>>) target(%arg12 : memref<40xi32, #tpu.memory_space<vmem>>) target_semaphore(%arg28 : memref<!tpu.dma_semaphore, #tpu.memory_space<semaphore_mem>>)
      %add3A_278 = arith.constant 5 : i32
      %add3A_279 = arith.addi %add3A_255, %add3A_278 : i32
      %mul3A_280 = arith.constant 40 : i32
      %mul3A_281 = arith.muli %add3A_279, %mul3A_280 : i32
      %dma_start3A_282 = tpu.memref_slice %arg7[%mul3A_281] : memref<10000xi32, #tpu.memory_space<vmem>> -> memref<40xi32, #tpu.memory_space<vmem>>
      %dma_start3A_283 = arith.constant 0 : i32
      %dma_start3A_284 = arith.constant 0 : i32
      %dma_start3A_285 = tpu.memref_slice %arg2[%dma_start3A_283, %dma_start3A_284] : memref<10000x128xf32, #tpu.memory_space<hbm>> -> memref<10000x128xf32, #tpu.memory_space<hbm>>
      tpu.enqueue_indirect_dma source(%dma_start3A_285 : memref<10000x128xf32, #tpu.memory_space<hbm>>) target(%arg17 : memref<40x128xf32, #tpu.memory_space<vmem>>) offsets(%dma_start3A_282 : memref<40xi32, #tpu.memory_space<vmem>>) semaphore(%arg23 : memref<!tpu.dma_semaphore, #tpu.memory_space<semaphore_mem>>)
    }
    %scan3A_66 = arith.constant 49 : i32
    %dma_wait3A_67 = arith.constant 9800 : i32
    %dma_wait3A_68 = tpu.memref_slice %arg7[%dma_wait3A_67] : memref<10000xi32, #tpu.memory_space<vmem>> -> memref<40xi32, #tpu.memory_space<vmem>>
    %dma_wait3A_69 = arith.constant 0 : i32
    %dma_wait3A_70 = arith.constant 0 : i32
    %dma_wait3A_71 = tpu.memref_slice %arg2[%dma_wait3A_69, %dma_wait3A_70] : memref<10000x128xf32, #tpu.memory_space<hbm>> -> memref<10000x128xf32, #tpu.memory_space<hbm>>
    tpu.wait_indirect_dma semaphore(%arg19 : memref<!tpu.dma_semaphore, #tpu.memory_space<semaphore_mem>>) src(%dma_wait3A_71 : memref<10000x128xf32, #tpu.memory_space<hbm>>) dst(%arg13 : memref<40x128xf32, #tpu.memory_space<vmem>>)
    %add3A_72 = arith.constant 320000 : i32
    %add3A_73 = arith.addi %add3A_72, %mul3A_4 : i32
    %add3A_74 = arith.constant 9800 : i32
    %add3A_75 = arith.addi %add3A_73, %add3A_74 : i32
    %dma_wait3A_76 = tpu.memref_slice %arg3[%add3A_75] : memref<640000xi32, #tpu.memory_space<hbm>> -> memref<40xi32, #tpu.memory_space<hbm>>
    %dma_wait3A_77 = tpu.memref_slice %arg3[%add3A_75] : memref<640000xi32, #tpu.memory_space<hbm>> -> memref<40xi32, #tpu.memory_space<hbm>>
    tpu.wait_dma2 semaphore(%arg24 : memref<!tpu.dma_semaphore, #tpu.memory_space<semaphore_mem>>) src(%dma_wait3A_77 : memref<40xi32, #tpu.memory_space<hbm>>) dst(%arg8 : memref<40xi32, #tpu.memory_space<vmem>>)
    "tpu.region"() ({
      %run_scoped3A = tpu.sem_alloc : memref<!tpu.dma_semaphore, #tpu.memory_space<semaphore_mem>>
      %dma_start3A_123 = arith.constant 0 : i32
      %dma_start3A_124 = arith.constant 0 : i32
      %dma_start3A_125 = tpu.memref_slice %arg6[%dma_start3A_123, %dma_start3A_124] : memref<10240x128xf32, #tpu.memory_space<vmem_shared>> -> memref<10240x128xf32, #tpu.memory_space<vmem_shared>>
      tpu.enqueue_indirect_dma source(%arg13 : memref<40x128xf32, #tpu.memory_space<vmem>>) target(%dma_start3A_125 : memref<10240x128xf32, #tpu.memory_space<vmem_shared>>) offsets(%arg8 : memref<40xi32, #tpu.memory_space<vmem>>) semaphore(%run_scoped3A : memref<!tpu.dma_semaphore, #tpu.memory_space<semaphore_mem>>) {add = true}
      %dma_wait3A_126 = arith.constant 0 : i32
      %dma_wait3A_127 = arith.constant 0 : i32
      %dma_wait3A_128 = tpu.memref_slice %arg6[%dma_wait3A_126, %dma_wait3A_127] : memref<10240x128xf32, #tpu.memory_space<vmem_shared>> -> memref<10240x128xf32, #tpu.memory_space<vmem_shared>>
      tpu.wait_indirect_dma semaphore(%run_scoped3A : memref<!tpu.dma_semaphore, #tpu.memory_space<semaphore_mem>>) src(%arg13 : memref<40x128xf32, #tpu.memory_space<vmem>>) dst(%dma_wait3A_128 : memref<10240x128xf32, #tpu.memory_space<vmem_shared>>)
      tpu.yield
    }) : () -> ()
    %dma_wait3A_78 = arith.constant 9840 : i32
    %dma_wait3A_79 = tpu.memref_slice %arg7[%dma_wait3A_78] : memref<10000xi32, #tpu.memory_space<vmem>> -> memref<40xi32, #tpu.memory_space<vmem>>
    %dma_wait3A_80 = arith.constant 0 : i32
    %dma_wait3A_81 = arith.constant 0 : i32
    %dma_wait3A_82 = tpu.memref_slice %arg2[%dma_wait3A_80, %dma_wait3A_81] : memref<10000x128xf32, #tpu.memory_space<hbm>> -> memref<10000x128xf32, #tpu.memory_space<hbm>>
    tpu.wait_indirect_dma semaphore(%arg20 : memref<!tpu.dma_semaphore, #tpu.memory_space<semaphore_mem>>) src(%dma_wait3A_82 : memref<10000x128xf32, #tpu.memory_space<hbm>>) dst(%arg14 : memref<40x128xf32, #tpu.memory_space<vmem>>)
    %add3A_83 = arith.constant 320000 : i32
    %add3A_84 = arith.addi %add3A_83, %mul3A_4 : i32
    %add3A_85 = arith.constant 9840 : i32
    %add3A_86 = arith.addi %add3A_84, %add3A_85 : i32
    %dma_wait3A_87 = tpu.memref_slice %arg3[%add3A_86] : memref<640000xi32, #tpu.memory_space<hbm>> -> memref<40xi32, #tpu.memory_space<hbm>>
    %dma_wait3A_88 = tpu.memref_slice %arg3[%add3A_86] : memref<640000xi32, #tpu.memory_space<hbm>> -> memref<40xi32, #tpu.memory_space<hbm>>
    tpu.wait_dma2 semaphore(%arg25 : memref<!tpu.dma_semaphore, #tpu.memory_space<semaphore_mem>>) src(%dma_wait3A_88 : memref<40xi32, #tpu.memory_space<hbm>>) dst(%arg9 : memref<40xi32, #tpu.memory_space<vmem>>)
    "tpu.region"() ({
      %run_scoped3A = tpu.sem_alloc : memref<!tpu.dma_semaphore, #tpu.memory_space<semaphore_mem>>
      %dma_start3A_123 = arith.constant 0 : i32
      %dma_start3A_124 = arith.constant 0 : i32
      %dma_start3A_125 = tpu.memref_slice %arg6[%dma_start3A_123, %dma_start3A_124] : memref<10240x128xf32, #tpu.memory_space<vmem_shared>> -> memref<10240x128xf32, #tpu.memory_space<vmem_shared>>
      tpu.enqueue_indirect_dma source(%arg14 : memref<40x128xf32, #tpu.memory_space<vmem>>) target(%dma_start3A_125 : memref<10240x128xf32, #tpu.memory_space<vmem_shared>>) offsets(%arg9 : memref<40xi32, #tpu.memory_space<vmem>>) semaphore(%run_scoped3A : memref<!tpu.dma_semaphore, #tpu.memory_space<semaphore_mem>>) {add = true}
      %dma_wait3A_126 = arith.constant 0 : i32
      %dma_wait3A_127 = arith.constant 0 : i32
      %dma_wait3A_128 = tpu.memref_slice %arg6[%dma_wait3A_126, %dma_wait3A_127] : memref<10240x128xf32, #tpu.memory_space<vmem_shared>> -> memref<10240x128xf32, #tpu.memory_space<vmem_shared>>
      tpu.wait_indirect_dma semaphore(%run_scoped3A : memref<!tpu.dma_semaphore, #tpu.memory_space<semaphore_mem>>) src(%arg14 : memref<40x128xf32, #tpu.memory_space<vmem>>) dst(%dma_wait3A_128 : memref<10240x128xf32, #tpu.memory_space<vmem_shared>>)
      tpu.yield
    }) : () -> ()
    %dma_wait3A_89 = arith.constant 9880 : i32
    %dma_wait3A_90 = tpu.memref_slice %arg7[%dma_wait3A_89] : memref<10000xi32, #tpu.memory_space<vmem>> -> memref<40xi32, #tpu.memory_space<vmem>>
    %dma_wait3A_91 = arith.constant 0 : i32
    %dma_wait3A_92 = arith.constant 0 : i32
    %dma_wait3A_93 = tpu.memref_slice %arg2[%dma_wait3A_91, %dma_wait3A_92] : memref<10000x128xf32, #tpu.memory_space<hbm>> -> memref<10000x128xf32, #tpu.memory_space<hbm>>
    tpu.wait_indirect_dma semaphore(%arg21 : memref<!tpu.dma_semaphore, #tpu.memory_space<semaphore_mem>>) src(%dma_wait3A_93 : memref<10000x128xf32, #tpu.memory_space<hbm>>) dst(%arg15 : memref<40x128xf32, #tpu.memory_space<vmem>>)
    %add3A_94 = arith.constant 320000 : i32
    %add3A_95 = arith.addi %add3A_94, %mul3A_4 : i32
    %add3A_96 = arith.constant 9880 : i32
    %add3A_97 = arith.addi %add3A_95, %add3A_96 : i32
    %dma_wait3A_98 = tpu.memref_slice %arg3[%add3A_97] : memref<640000xi32, #tpu.memory_space<hbm>> -> memref<40xi32, #tpu.memory_space<hbm>>
    %dma_wait3A_99 = tpu.memref_slice %arg3[%add3A_97] : memref<640000xi32, #tpu.memory_space<hbm>> -> memref<40xi32, #tpu.memory_space<hbm>>
    tpu.wait_dma2 semaphore(%arg26 : memref<!tpu.dma_semaphore, #tpu.memory_space<semaphore_mem>>) src(%dma_wait3A_99 : memref<40xi32, #tpu.memory_space<hbm>>) dst(%arg10 : memref<40xi32, #tpu.memory_space<vmem>>)
    "tpu.region"() ({
      %run_scoped3A = tpu.sem_alloc : memref<!tpu.dma_semaphore, #tpu.memory_space<semaphore_mem>>
      %dma_start3A_123 = arith.constant 0 : i32
      %dma_start3A_124 = arith.constant 0 : i32
      %dma_start3A_125 = tpu.memref_slice %arg6[%dma_start3A_123, %dma_start3A_124] : memref<10240x128xf32, #tpu.memory_space<vmem_shared>> -> memref<10240x128xf32, #tpu.memory_space<vmem_shared>>
      tpu.enqueue_indirect_dma source(%arg15 : memref<40x128xf32, #tpu.memory_space<vmem>>) target(%dma_start3A_125 : memref<10240x128xf32, #tpu.memory_space<vmem_shared>>) offsets(%arg10 : memref<40xi32, #tpu.memory_space<vmem>>) semaphore(%run_scoped3A : memref<!tpu.dma_semaphore, #tpu.memory_space<semaphore_mem>>) {add = true}
      %dma_wait3A_126 = arith.constant 0 : i32
      %dma_wait3A_127 = arith.constant 0 : i32
      %dma_wait3A_128 = tpu.memref_slice %arg6[%dma_wait3A_126, %dma_wait3A_127] : memref<10240x128xf32, #tpu.memory_space<vmem_shared>> -> memref<10240x128xf32, #tpu.memory_space<vmem_shared>>
      tpu.wait_indirect_dma semaphore(%run_scoped3A : memref<!tpu.dma_semaphore, #tpu.memory_space<semaphore_mem>>) src(%arg15 : memref<40x128xf32, #tpu.memory_space<vmem>>) dst(%dma_wait3A_128 : memref<10240x128xf32, #tpu.memory_space<vmem_shared>>)
      tpu.yield
    }) : () -> ()
    %dma_wait3A_100 = arith.constant 9920 : i32
    %dma_wait3A_101 = tpu.memref_slice %arg7[%dma_wait3A_100] : memref<10000xi32, #tpu.memory_space<vmem>> -> memref<40xi32, #tpu.memory_space<vmem>>
    %dma_wait3A_102 = arith.constant 0 : i32
    %dma_wait3A_103 = arith.constant 0 : i32
    %dma_wait3A_104 = tpu.memref_slice %arg2[%dma_wait3A_102, %dma_wait3A_103] : memref<10000x128xf32, #tpu.memory_space<hbm>> -> memref<10000x128xf32, #tpu.memory_space<hbm>>
    tpu.wait_indirect_dma semaphore(%arg22 : memref<!tpu.dma_semaphore, #tpu.memory_space<semaphore_mem>>) src(%dma_wait3A_104 : memref<10000x128xf32, #tpu.memory_space<hbm>>) dst(%arg16 : memref<40x128xf32, #tpu.memory_space<vmem>>)
    %add3A_105 = arith.constant 320000 : i32
    %add3A_106 = arith.addi %add3A_105, %mul3A_4 : i32
    %add3A_107 = arith.constant 9920 : i32
    %add3A_108 = arith.addi %add3A_106, %add3A_107 : i32
    %dma_wait3A_109 = tpu.memref_slice %arg3[%add3A_108] : memref<640000xi32, #tpu.memory_space<hbm>> -> memref<40xi32, #tpu.memory_space<hbm>>
    %dma_wait3A_110 = tpu.memref_slice %arg3[%add3A_108] : memref<640000xi32, #tpu.memory_space<hbm>> -> memref<40xi32, #tpu.memory_space<hbm>>
    tpu.wait_dma2 semaphore(%arg27 : memref<!tpu.dma_semaphore, #tpu.memory_space<semaphore_mem>>) src(%dma_wait3A_110 : memref<40xi32, #tpu.memory_space<hbm>>) dst(%arg11 : memref<40xi32, #tpu.memory_space<vmem>>)
    "tpu.region"() ({
      %run_scoped3A = tpu.sem_alloc : memref<!tpu.dma_semaphore, #tpu.memory_space<semaphore_mem>>
      %dma_start3A_123 = arith.constant 0 : i32
      %dma_start3A_124 = arith.constant 0 : i32
      %dma_start3A_125 = tpu.memref_slice %arg6[%dma_start3A_123, %dma_start3A_124] : memref<10240x128xf32, #tpu.memory_space<vmem_shared>> -> memref<10240x128xf32, #tpu.memory_space<vmem_shared>>
      tpu.enqueue_indirect_dma source(%arg16 : memref<40x128xf32, #tpu.memory_space<vmem>>) target(%dma_start3A_125 : memref<10240x128xf32, #tpu.memory_space<vmem_shared>>) offsets(%arg11 : memref<40xi32, #tpu.memory_space<vmem>>) semaphore(%run_scoped3A : memref<!tpu.dma_semaphore, #tpu.memory_space<semaphore_mem>>) {add = true}
      %dma_wait3A_126 = arith.constant 0 : i32
      %dma_wait3A_127 = arith.constant 0 : i32
      %dma_wait3A_128 = tpu.memref_slice %arg6[%dma_wait3A_126, %dma_wait3A_127] : memref<10240x128xf32, #tpu.memory_space<vmem_shared>> -> memref<10240x128xf32, #tpu.memory_space<vmem_shared>>
      tpu.wait_indirect_dma semaphore(%run_scoped3A : memref<!tpu.dma_semaphore, #tpu.memory_space<semaphore_mem>>) src(%arg16 : memref<40x128xf32, #tpu.memory_space<vmem>>) dst(%dma_wait3A_128 : memref<10240x128xf32, #tpu.memory_space<vmem_shared>>)
      tpu.yield
    }) : () -> ()
    %dma_wait3A_111 = arith.constant 9960 : i32
    %dma_wait3A_112 = tpu.memref_slice %arg7[%dma_wait3A_111] : memref<10000xi32, #tpu.memory_space<vmem>> -> memref<40xi32, #tpu.memory_space<vmem>>
    %dma_wait3A_113 = arith.constant 0 : i32
    %dma_wait3A_114 = arith.constant 0 : i32
    %dma_wait3A_115 = tpu.memref_slice %arg2[%dma_wait3A_113, %dma_wait3A_114] : memref<10000x128xf32, #tpu.memory_space<hbm>> -> memref<10000x128xf32, #tpu.memory_space<hbm>>
    tpu.wait_indirect_dma semaphore(%arg23 : memref<!tpu.dma_semaphore, #tpu.memory_space<semaphore_mem>>) src(%dma_wait3A_115 : memref<10000x128xf32, #tpu.memory_space<hbm>>) dst(%arg17 : memref<40x128xf32, #tpu.memory_space<vmem>>)
    %add3A_116 = arith.constant 320000 : i32
    %add3A_117 = arith.addi %add3A_116, %mul3A_4 : i32
    %add3A_118 = arith.constant 9960 : i32
    %add3A_119 = arith.addi %add3A_117, %add3A_118 : i32
    %dma_wait3A_120 = tpu.memref_slice %arg3[%add3A_119] : memref<640000xi32, #tpu.memory_space<hbm>> -> memref<40xi32, #tpu.memory_space<hbm>>
    %dma_wait3A_121 = tpu.memref_slice %arg3[%add3A_119] : memref<640000xi32, #tpu.memory_space<hbm>> -> memref<40xi32, #tpu.memory_space<hbm>>
    tpu.wait_dma2 semaphore(%arg28 : memref<!tpu.dma_semaphore, #tpu.memory_space<semaphore_mem>>) src(%dma_wait3A_121 : memref<40xi32, #tpu.memory_space<hbm>>) dst(%arg12 : memref<40xi32, #tpu.memory_space<vmem>>)
    "tpu.region"() ({
      %run_scoped3A = tpu.sem_alloc : memref<!tpu.dma_semaphore, #tpu.memory_space<semaphore_mem>>
      %dma_start3A_123 = arith.constant 0 : i32
      %dma_start3A_124 = arith.constant 0 : i32
      %dma_start3A_125 = tpu.memref_slice %arg6[%dma_start3A_123, %dma_start3A_124] : memref<10240x128xf32, #tpu.memory_space<vmem_shared>> -> memref<10240x128xf32, #tpu.memory_space<vmem_shared>>
      tpu.enqueue_indirect_dma source(%arg17 : memref<40x128xf32, #tpu.memory_space<vmem>>) target(%dma_start3A_125 : memref<10240x128xf32, #tpu.memory_space<vmem_shared>>) offsets(%arg12 : memref<40xi32, #tpu.memory_space<vmem>>) semaphore(%run_scoped3A : memref<!tpu.dma_semaphore, #tpu.memory_space<semaphore_mem>>) {add = true}
      %dma_wait3A_126 = arith.constant 0 : i32
      %dma_wait3A_127 = arith.constant 0 : i32
      %dma_wait3A_128 = tpu.memref_slice %arg6[%dma_wait3A_126, %dma_wait3A_127] : memref<10240x128xf32, #tpu.memory_space<vmem_shared>> -> memref<10240x128xf32, #tpu.memory_space<vmem_shared>>
      tpu.wait_indirect_dma semaphore(%run_scoped3A : memref<!tpu.dma_semaphore, #tpu.memory_space<semaphore_mem>>) src(%arg17 : memref<40x128xf32, #tpu.memory_space<vmem>>) dst(%dma_wait3A_128 : memref<10240x128xf32, #tpu.memory_space<vmem_shared>>)
      tpu.yield
    }) : () -> ()
    %barrier3A_122 = arith.constant 0 : index
    tpu.barrier barrier_id(%barrier3A_122)
    "tpu.region"() ({
      %run_scoped3A = tpu.sem_alloc : memref<!tpu.dma_semaphore, #tpu.memory_space<semaphore_mem>>
      %dma_start3A_123 = arith.constant 0 : i32
      %dma_start3A_124 = tpu.memref_slice %arg5[%arg0, %mul3A_2, %dma_start3A_123] : memref<2x10240x128xf32, #tpu.memory_space<hbm>> -> memref<1x640x128xf32, #tpu.memory_space<hbm>>
      %dma_start3A_125 = tpu.memref_squeeze %dma_start3A_124 : memref<1x640x128xf32, #tpu.memory_space<hbm>> -> memref<640x128xf32, #tpu.memory_space<hbm>>
      %dma_start3A_126 = arith.constant 0 : i32
      %dma_start3A_127 = tpu.memref_slice %arg6[%mul3A_2, %dma_start3A_126] : memref<10240x128xf32, #tpu.memory_space<vmem_shared>> -> memref<640x128xf32, #tpu.memory_space<vmem_shared>>
      tpu.enqueue_dma source(%dma_start3A_127 : memref<640x128xf32, #tpu.memory_space<vmem_shared>>) target(%dma_start3A_125 : memref<640x128xf32, #tpu.memory_space<hbm>>) target_semaphore(%run_scoped3A : memref<!tpu.dma_semaphore, #tpu.memory_space<semaphore_mem>>)
      %dma_wait3A_128 = arith.constant 0 : i32
      %dma_wait3A_129 = tpu.memref_slice %arg5[%arg0, %mul3A_2, %dma_wait3A_128] : memref<2x10240x128xf32, #tpu.memory_space<hbm>> -> memref<1x640x128xf32, #tpu.memory_space<hbm>>
      %dma_wait3A_130 = tpu.memref_squeeze %dma_wait3A_129 : memref<1x640x128xf32, #tpu.memory_space<hbm>> -> memref<640x128xf32, #tpu.memory_space<hbm>>
      %dma_wait3A_131 = arith.constant 0 : i32
      %dma_wait3A_132 = tpu.memref_slice %arg6[%mul3A_2, %dma_wait3A_131] : memref<10240x128xf32, #tpu.memory_space<vmem_shared>> -> memref<640x128xf32, #tpu.memory_space<vmem_shared>>
      tpu.wait_dma2 semaphore(%run_scoped3A : memref<!tpu.dma_semaphore, #tpu.memory_space<semaphore_mem>>) src(%dma_wait3A_132 : memref<640x128xf32, #tpu.memory_space<vmem_shared>>) dst(%dma_wait3A_130 : memref<640x128xf32, #tpu.memory_space<hbm>>)
      tpu.yield
    }) : () -> ()
    return
  }
}

module attributes {stable_mosaic.version = 14 : i64} {
  func.func @body(%arg0: i32, %arg1: memref<1000x128xf32, #tpu.memory_space<vmem>>, %arg2: memref<128x128xf32, #tpu.memory_space<vmem>>, %arg3: memref<1000x128xf32, #tpu.memory_space<vmem>>) attributes {dimension_semantics = [#tpu.dimension_semantics<arbitrary>], iteration_bounds = array<i64: 10>, scalar_prefetch = 0 : i64, scratch_operands = 0 : i64, tpu.core_type = #tpu.core_type<tc>, window_params = [{transform_indices = @transform_0, window_bounds = array<i64: 1000, 128>}, {pipeline_mode = #tpu.pipeline_mode<synchronous>, transform_indices = @transform_1, window_bounds = array<i64: 128, 128>}, {transform_indices = @transform_2, window_bounds = array<i64: 1000, 128>}]} {
    %get3A = arith.constant 0 : index
    %get3A_0 = arith.constant 0 : index
    %get3A_1 = vector.load %arg1[%get3A, %get3A_0] : memref<1000x128xf32, #tpu.memory_space<vmem>>, vector<1000x128xf32>
    %get3A_2 = arith.constant 0 : index
    %get3A_3 = arith.constant 0 : index
    %get3A_4 = vector.load %arg2[%get3A_2, %get3A_3] : memref<128x128xf32, #tpu.memory_space<vmem>>, vector<128x128xf32>
    %dot_general3A = arith.constant dense<0.000000e+00> : vector<1000x128xf32>
    %dot_general3A_5 = tpu.matmul %get3A_1, %get3A_4, %dot_general3A {dimension_numbers = #tpu.dot_dimension_numbers<[1], [0], [0], [1], [0, 0, 1, 1], [], []>, transpose_lhs_hint = false} : vector<1000x128xf32>, vector<128x128xf32>, vector<1000x128xf32> -> vector<1000x128xf32>
    %swap3A = arith.constant 0 : index
    %swap3A_6 = arith.constant 0 : index
    %swap3A_7 = vector.load %arg3[%swap3A, %swap3A_6] : memref<1000x128xf32, #tpu.memory_space<vmem>>, vector<1000x128xf32>
    tpu.vector_store %arg3[%swap3A, %swap3A_6], %dot_general3A_5 {strides = array<i32>} : memref<1000x128xf32, #tpu.memory_space<vmem>>, vector<1000x128xf32>,
    return
  }
  func.func @transform_0(%arg0: i32) -> (i32, i32) {
    %c0_i32 = arith.constant 0 : i32
    %c0_i32_0 = arith.constant 0 : i32
    return %arg0, %c0_i32 : i32, i32
  }
  func.func @transform_1(%arg0: i32) -> (i32, i32) {
    %c0_i32 = arith.constant 0 : i32
    %c0_i32_0 = arith.constant 0 : i32
    %c0_i32_1 = arith.constant 0 : i32
    return %c0_i32, %c0_i32_0 : i32, i32
  }
  func.func @transform_2(%arg0: i32) -> (i32, i32) {
    %c0_i32 = arith.constant 0 : i32
    %c0_i32_0 = arith.constant 0 : i32
    return %arg0, %c0_i32 : i32, i32
  }
}

module attributes {stable_mosaic.version = 14 : i64} {
  func.func @body(%arg0: i32, %arg1: memref<1000x128xf32, #tpu.memory_space<vmem>>, %arg2: memref<2x1000x128xf32, #tpu.memory_space<vmem>>, %arg3: memref<128x128xf32, #tpu.memory_space<vmem>>, %arg4: memref<1000x128xf32, #tpu.memory_space<vmem>>) attributes {dimension_semantics = [#tpu.dimension_semantics<arbitrary>], iteration_bounds = array<i64: 10>, scalar_prefetch = 0 : i64, scratch_operands = 0 : i64, tpu.core_type = #tpu.core_type<tc>, window_params = [{transform_indices = @transform_0, window_bounds = array<i64: 1000, 128>}, {transform_indices = @transform_1, window_bounds = array<i64: 2, 1000, 128>}, {pipeline_mode = #tpu.pipeline_mode<synchronous>, transform_indices = @transform_2, window_bounds = array<i64: 128, 128>}, {transform_indices = @transform_3, window_bounds = array<i64: 1000, 128>}]} {
    %get3A = arith.constant 0 : index
    %get3A_0 = arith.constant 0 : index
    %get3A_1 = arith.constant 0 : index
    %get3A_2 = vector.load %arg2[%get3A, %get3A_0, %get3A_1] : memref<2x1000x128xf32, #tpu.memory_space<vmem>>, vector<1x1000x128xf32>
    %get3A_3 = vector.shape_cast %get3A_2 : vector<1x1000x128xf32> to vector<1000x128xf32>
    %get3A_4 = arith.constant 1 : index
    %get3A_5 = arith.constant 0 : index
    %get3A_6 = arith.constant 0 : index
    %get3A_7 = vector.load %arg2[%get3A_4, %get3A_5, %get3A_6] : memref<2x1000x128xf32, #tpu.memory_space<vmem>>, vector<1x1000x128xf32>
    %get3A_8 = vector.shape_cast %get3A_7 : vector<1x1000x128xf32> to vector<1000x128xf32>
    %add3A = arith.addf %get3A_3, %get3A_8 : vector<1000x128xf32>
    %get3A_9 = arith.constant 0 : index
    %get3A_10 = arith.constant 0 : index
    %get3A_11 = vector.load %arg1[%get3A_9, %get3A_10] : memref<1000x128xf32, #tpu.memory_space<vmem>>, vector<1000x128xf32>
    %get3A_12 = arith.constant 0 : index
    %get3A_13 = arith.constant 0 : index
    %get3A_14 = vector.load %arg3[%get3A_12, %get3A_13] : memref<128x128xf32, #tpu.memory_space<vmem>>, vector<128x128xf32>
    %dot_general3A = arith.constant dense<0.000000e+00> : vector<1000x128xf32>
    %dot_general3A_15 = tpu.matmul %add3A, %get3A_14, %dot_general3A {dimension_numbers = #tpu.dot_dimension_numbers<[1], [0], [0], [1], [0, 0, 1, 1], [], []>, transpose_lhs_hint = false} : vector<1000x128xf32>, vector<128x128xf32>, vector<1000x128xf32> -> vector<1000x128xf32>
    %add3A_16 = arith.addf %get3A_11, %dot_general3A_15 : vector<1000x128xf32>
    %mul3A = arith.constant 5.000000e-01 : f32
    %mul3A_17 = vector.broadcast %mul3A : f32 to vector<1000x128xf32>
    %mul3A_18 = arith.mulf %mul3A_17, %add3A_16 : vector<1000x128xf32>
    %mul3A_19 = arith.constant 0.707106769 : f32
    %mul3A_20 = vector.broadcast %mul3A_19 : f32 to vector<1000x128xf32>
    %mul3A_21 = arith.mulf %add3A_16, %mul3A_20 : vector<1000x128xf32>
    %erf3A = math.erf %mul3A_21 : vector<1000x128xf32>
    %add3A_22 = arith.constant 1.000000e+00 : f32
    %add3A_23 = vector.broadcast %add3A_22 : f32 to vector<1000x128xf32>
    %add3A_24 = arith.addf %add3A_23, %erf3A : vector<1000x128xf32>
    %mul3A_25 = arith.mulf %mul3A_18, %add3A_24 : vector<1000x128xf32>
    %swap3A = arith.constant 0 : index
    %swap3A_26 = arith.constant 0 : index
    %swap3A_27 = vector.load %arg4[%swap3A, %swap3A_26] : memref<1000x128xf32, #tpu.memory_space<vmem>>, vector<1000x128xf32>
    tpu.vector_store %arg4[%swap3A, %swap3A_26], %mul3A_25 {strides = array<i32>} : memref<1000x128xf32, #tpu.memory_space<vmem>>, vector<1000x128xf32>,
    return
  }
  func.func @transform_0(%arg0: i32) -> (i32, i32) {
    %c0_i32 = arith.constant 0 : i32
    %c0_i32_0 = arith.constant 0 : i32
    return %arg0, %c0_i32 : i32, i32
  }
  func.func @transform_1(%arg0: i32) -> (i32, i32, i32) {
    %c0_i32 = arith.constant 0 : i32
    %c0_i32_0 = arith.constant 0 : i32
    %c0_i32_1 = arith.constant 0 : i32
    return %c0_i32, %arg0, %c0_i32_0 : i32, i32, i32
  }
  func.func @transform_2(%arg0: i32) -> (i32, i32) {
    %c0_i32 = arith.constant 0 : i32
    %c0_i32_0 = arith.constant 0 : i32
    %c0_i32_1 = arith.constant 0 : i32
    return %c0_i32, %c0_i32_0 : i32, i32
  }
  func.func @transform_3(%arg0: i32) -> (i32, i32) {
    %c0_i32 = arith.constant 0 : i32
    %c0_i32_0 = arith.constant 0 : i32
    return %arg0, %c0_i32 : i32, i32
  }
}

</mosaic_0001>

<sc_bundles>
// kernel: kernel.5.cloned.1.call-start
scs
__scs_entry_jumppad:
0x0: {  	(pc) =	sbr.rel $0x88, $3  }
0x1: {  	(tag) =	ssettag $0x0;
	lr =	simm.s32 $0x1  }
0x2: {  	[smem:$0x3F9D] =	sst lr;
	_ =	strace $0xD0000000  }
0x3: {  	_ = 	snop  }
0x4: {  	_ = 	snop  }
0x5: {  	_ = 	snop  }
0x6: {  	_ = 	snop  }
0x7: {  	_ = 	snop  }
__scs_overlays_trampoline_lowered:
0x8: {  	[smem:$0x3FAC] =	sst s0  }
0x9: {  	[smem:$0x3FAD] =	sst s1  }
0xa: {  	[smem:$0x3FAE] =	sst s2  }
0xb: {  	[smem:$0x3FAF] =	sst s3  }
0xc: {  	[smem:$0x3FB0] =	sst s4  }
0xd: {  	[smem:$0x3FB1] =	sst s5  }
0xe: {  	[smem:$0x3FB2] =	sst s6  }
0xf: {  	[smem:$0x3FB3] =	sst s7  }
0x10: {  	[smem:$0x3FB4] =	sst s8  }
0x11: {  	[smem:$0x3FB5] =	sst s9;
	s0 =	simm.s32 @!p0 $0x0  }
0x12: {  	s1 =	sld [smem:$0x3F9B];
	s0 =	simm.s32 @p0 $0x1  }
0x13: {  	[smem:$0x3FB6] =	sst s0;
	s0 =	simm.s32 @!p1 $0x0  }
0x14: {  	s2 =	sld [smem:$0x3F9A];
	s0 =	simm.s32 @p1 $0x1  }
0x15: {  	[smem:$0x3FB7] =	sst s0;
	s0 =	simm.s32 @!p2 $0x0  }
0x16: {  	s3 =	sld [smem:$0x3FDB];
	s0 =	simm.s32 @p2 $0x1  }
0x17: {  	s4 =	simm.s32 $0x1BF5;
	[smem:$0x3FB9] =	sst s0  }
0x18: {  	s0 =	sld [smem:$0x3F9C];
	_ =	swait.ge [sflag:s4], $0x0  }
0x19: {  	s7 =	sld [smem:$0x3F9D]  }
0x1a: {  	s8 =	sadd.s32 $0xFFFFE003, lr  }
0x1b: {  	s9 =	sadd.s32 $0xFFFFFEF7, lr;
	s5 =	simm.s32 $0xFFFFFFFF;
	p2 =	slt.u32 s8, $0xFFFFF086  }
0x1c: {  	p1 =	slt.u32 s9, $0xF7A;
	s5 =	simm.s32 @!p2 $0x0  }
0x1d: {  	s5 =	simm.s32 @p1 $0x1;
	p0 =	seq.s32 s7, s2  }
0x1e: {  	s7 =	smul.u32 @!p0 $0xF7A, s2;
	p2 =	seq.s32 @!p0 s5, $0x0  }
0x1f: {  	s9 =	smul.u32 $0xF7A, s1;
	s8 =	simm.s32 @!p0 $0x1BF5;
	p2 =	por !p2, p0  }
0x20: {  	[sflag:s8] =	ssyncset.s32 @!p0 $0xFFFFF086;
	s6 =	sadd.s32 @!p0 s3, s7;
	s7 =	simm.s32 @!p0 $0x108  }
0x21: {  	s3 =	sadd.s32 s3, s9;
	s6 =	sadd.s32 @!p0 $0x88, s6;
	s7 =	simm.s32 @p2 $0x1082  }
0x22: {  	[simem:s7], [sflag:s8] =	dma.local @!p0 [hbm:s6], $0xF7A  }
0x23: {  	s9 =	sor.u32 $0xD0000000, s2;
	s6 =	simm.s32 $0x108;
	_ =	swait.ge @!p0 [sflag:s8], $0x0  }
0x24: {  	s3 =	sadd.s32 $0x88, s3;
	s6 =	simm.s32 @!p1 $0x1082;
	[sflag:s4] =	ssyncset.s32 $0xFFFFF086  }
0x25: {  	[simem:s6], [sflag:s4] =	dma.local [hbm:s3], $0xF7A  }
0x26: {  	[smem:$0x3F9D] =	sst s1;
	(tag) =	ssettag s2;
	_ =	strace s9  }
0x27: {  	s1 =	sld [smem:$0x3FAD]  }
0x28: {  	s2 =	sld [smem:$0x3FAE]  }
0x29: {  	s4 =	sld [smem:$0x3FB0]  }
0x2a: {  	p0 =	seq.s32 s5, $0x0;
	s5 =	sld [smem:$0x3FB1]  }
0x2b: {  	s6 =	sld [smem:$0x3FB2]  }
0x2c: {  	s7 =	sld [smem:$0x3FB3]  }
0x2d: {  	s3 =	simm.s32 $0x108;
	s8 =	sld [smem:$0x3FB4]  }
0x2e: {  	s3 =	simm.s32 @!p0 $0x1082;
	s9 =	sld [smem:$0x3FB5]  }
0x2f: {  	lr =	sadd.s32 s0, s3;
	s0 =	sld [smem:$0x3FAC]  }
0x30: {  	s3 =	sld [smem:$0x3FAF]  }
0x31: {  	[smem:$0x3FB8] =	sst s10  }
0x32: {  	s10 =	sld [smem:$0x3FB6];
	_ =	sdelay $0x3  }
0x33: {  	p0 =	seq.s32 s10, $0x1;
	s10 =	sld [smem:$0x3FB8];
	_ =	sdelay $0x3  }
0x34: {  	[smem:$0x3FB8] =	sst s10  }
0x35: {  	s10 =	sld [smem:$0x3FB7];
	_ =	sdelay $0x3  }
0x36: {  	p1 =	seq.s32 s10, $0x1;
	s10 =	sld [smem:$0x3FB8];
	_ =	sdelay $0x3  }
0x37: {  	[smem:$0x3FB8] =	sst s10  }
0x38: {  	s10 =	sld [smem:$0x3FB9]  }
0x39: {  	_ = 	snop;
	(pc) =	sbr.ind lr, $3  }
0x3a: {  	_ = 	snop  }
0x3b: {  	_ = 	snop  }
0x3c: {  	p2 =	seq.s32 s10, $0x1;
	s10 =	sld [smem:$0x3FB8]  }
0x3d: {  	_ =	shalt  }
0x3e: {  	_ =	shalt  }
0x3f: {  	_ =	shalt  }
0x40: {  	_ =	shalt  }
0x41: {  	_ =	shalt  }
0x42: {  	_ =	shalt  }
0x43: {  	_ =	shalt  }
0x44: {  	_ =	shalt  }
0x45: {  	_ =	shalt  }
0x46: {  	_ =	shalt  }
0x47: {  	_ =	shalt  }
0x48: {  	_ =	shalt  }
0x49: {  	_ =	shalt  }
0x4a: {  	_ =	shalt  }
0x4b: {  	_ =	shalt  }
0x4c: {  	_ =	shalt  }
0x4d: {  	_ =	shalt  }
0x4e: {  	_ =	shalt  }
0x4f: {  	_ =	shalt  }
0x50: {  	_ =	shalt  }
0x51: {  	_ =	shalt  }
0x52: {  	_ =	shalt  }
0x53: {  	_ =	shalt  }
0x54: {  	_ =	shalt  }
0x55: {  	_ =	shalt  }
0x56: {  	_ =	shalt  }
0x57: {  	_ =	shalt  }
0x58: {  	_ =	shalt  }
0x59: {  	_ =	shalt  }
0x5a: {  	_ =	shalt  }
0x5b: {  	_ =	shalt  }
0x5c: {  	_ =	shalt  }
0x5d: {  	_ =	shalt  }
0x5e: {  	_ =	shalt  }
0x5f: {  	_ =	shalt  }
0x60: {  	_ =	shalt  }
0x61: {  	_ =	shalt  }
0x62: {  	_ =	shalt  }
0x63: {  	_ =	shalt  }
0x64: {  	_ =	shalt  }
0x65: {  	_ =	shalt  }
0x66: {  	_ =	shalt  }
0x67: {  	_ =	shalt  }
0x68: {  	_ =	shalt  }
0x69: {  	_ =	shalt  }
0x6a: {  	_ =	shalt  }
0x6b: {  	_ =	shalt  }
0x6c: {  	_ =	shalt  }
0x6d: {  	_ =	shalt  }
0x6e: {  	_ =	shalt  }
0x6f: {  	_ =	shalt  }
0x70: {  	_ =	shalt  }
0x71: {  	_ =	shalt  }
0x72: {  	_ =	shalt  }
0x73: {  	_ =	shalt  }
0x74: {  	_ =	shalt  }
0x75: {  	_ =	shalt  }
0x76: {  	_ =	shalt  }
0x77: {  	_ =	shalt  }
0x78: {  	_ =	shalt  }
0x79: {  	_ =	shalt  }
0x7a: {  	_ =	shalt  }
0x7b: {  	_ =	shalt  }
0x7c: {  	_ =	shalt  }
0x7d: {  	_ =	shalt  }
0x7e: {  	_ =	shalt  }
0x7f: {  	_ =	shalt  }
0x80: {  	_ =	shalt  }
0x81: {  	_ =	shalt  }
0x82: {  	_ =	shalt  }
0x83: {  	_ =	shalt  }
0x84: {  	_ =	shalt  }
0x85: {  	_ =	shalt  }
0x86: {  	_ =	shalt  }
0x87: {  	_ =	shalt  }
.Lfunc_end0:
.L_simem_size_0:
called_computation_lowered:
.L_overlay_start_0:
0x88: {  	s2 =	sld [smem:$0x3FD9]  }
0x89: {  	s3 =	sld [smem:$0x3FFE];
	_ =	sdelay $0x1  }
0x8a: {  	s1 =	srdreg.scid  }
0x8b: {  	s0 =	sand.u32 $0x1, s1  }
0x8c: {  	s17 =	sshll.u32 s0, $0xA;
	s2 =	sadd.s32 s3, s2  }
0x8d: {  	s2 =	sadd.s32 s2, s17  }
0x8e: {  	[smem:$0x3FC4] =	sst s2  }
0x8f: {  	_ = 	snop  }
0x90: {  	s2 =	sld [smem:$0x3FC9]  }
0x91: {  	s18 =	sld [smem:$0x3FD0];
	(tm) =	ssettm $0x1  }
0x92: {  	s4 =	sld [smem:$0x3FFB];
	_ =	sdelay $0x3  }
0x93: {  	_ =	strace s4  }
0x94: {  	s4 =	sld [smem:$0x3FFC];
	_ =	sdelay $0x3  }
0x95: {  	_ =	strace s4  }
0x96: {  	s4 =	sld [smem:$0x3FFD];
	_ =	sdelay $0x3  }
0x97: {  	_ =	strace s4  }
0x98: {  	_ =	strace $0x8FFFFFFF  }
0x99: {  	s19 =	sld [smem:$0x3FDB];
	_ =	sdelay $0x1  }
0x9a: {  	s5 =	simm.s32 $_scs_section_size  }
0x9b: {  	s6 =	simm.s32 $_size__tile_overlayer_lowered;
	s7 =	simm.s32 $_tile_overlayer_lowered  }
0x9c: {  	s22 =	simm.s32 $0x1BFF;
	s21 =	sshll.u32 s7, $0x1;
	s4 =	sadd.s32 s5, s19  }
0x9d: {  	s8 =	simm.s32 $0x0;
	s20 =	sshll.u32 s6, $0x1;
	s6 =	sadd.s32 s21, s4  }
0x9e: {  	[timem:s8], [sflag:s22] =	dma.local [hbm:s6], s20  }
0x9f: {  	_ =	swait.ge [sflag:s22], s20  }
0xa0: {  	s5 =	ssub.s32 $0x0, s20;
	[sflag:s22] =	ssyncset.done $0x0  }
0xa1: {  	[sflag:s22] =	ssyncadd.s32 s5;
	_ =	sdelay $0x1  }
0xa2: {  	s23 =	simm.s32 $0x1B8B  }
0xa3: {  	_ =	swait.ge [sflag:s23], $0x1  }
0xa4: {  	[sflag:s23] =	ssyncset.done $0x0  }
0xa5: {  	s25 =	simm.s32 $0x1B8E;
	s24 =	sld [smem:$0x3FFE];
	[sflag:s23] =	ssyncadd.s32 $0xFFFFFFFF  }
0xa6: {  	s26 =	simm.s32 $execute0_lowered;
	[smem:$0x3FD2] =	sst s25  }
0xa7: {  	s6 =	sshll.u32 s26, $0x1;
	_ =	strace $0x80000046;
	[dreg:$0x1] =	wrdreg $0xFFFFFFFF  }
0xa8: {  	s28 =	simm.s32 $_size_execute0_lowered;
	s4 =	sadd.s32 s4, s6;
	[dreg:$0x0] =	wrdreg $0x0  }
0xa9: {  	s6 =	sshll.u32 s28, $0x1;
	[dreg:$0x2] =	wrdreg s4  }
0xaa: {  	[dreg:$0x3] =	wrdreg s6  }
0xab: {  	[dreg:$0x4] =	wrdreg $0xC0  }
0xac: {  	_ =	task [dreg:s8], $0x5FFFF  }
0xad: {  	[dreg:$0x1] =	wrdreg $0xFFFFFFFF  }
0xae: {  	[dreg:$0x0] =	wrdreg $0x60  }
0xaf: {  	[dreg:$0x2] =	wrdreg s2  }
0xb0: {  	[dreg:$0x3] =	wrdreg s18  }
0xb1: {  	[dreg:$0x4] =	wrdreg s24  }
0xb2: {  	[dreg:$0x5] =	wrdreg $0x0  }
0xb3: {  	[dreg:$0x6] =	wrdreg $0x9  }
0xb4: {  	_ =	task.clear_ibuf [dreg:s8], $0x7FFFF;
	_ =	strace $0x90000046  }
0xb5: {  	s29 =	simm.s32 $0x9;
	_ =	strace $0x80000048  }
0xb6: {  	_ =	swait.ge [sflag:s29], $0x1  }
0xb7: {  	[sflag:s29] =	ssyncadd.s32 $0xFFFFFFFF  }
0xb8: {  	_ =	strace $0x90000048  }
0xb9: {  	_ =	sfence  }
0xba: {  	s30 =	sld [smem:$0x0];
	_ =	sdelay $0x2  }
0xbb: {  	s31 =	sshll.u32 s1, $0xD;
	s1 =	sshrl.u32 s1, $0x2  }
0xbc: {  	s3 =	sand.u32 $0x4000, s31;
	s1 =	sadd.s32 s1, s30  }
0xbd: {  	s0 =	sor.u32 s3, s0;
	s1 =	sshll.u32 s1, $0x11  }
0xbe: {  	s0 =	sor.u32 s1, s0  }
0xbf: {  	s0 =	sadd.s32 $0x8F2B, s0  }
0xc0: {  	[sflag:s0] =	ssyncadd.remote.s32 $0x1  }
0xc1: {  	_ =	sfence.sel $0xFFFF  }
0xc2: {  	[dreg:$0x0] =	wrdreg $0xFFFFFFFF;
	(pc) =	sbr.abs _section_cstart, $3  }
0xc3: {  	[dreg:$0x1] =	wrdreg $0xFFFFFFFF  }
0xc4: {  	_ =	task.clear_ibuf [dreg:s8], $0x2FFFF;
	_ =	strace $0x9FFFFFFF  }
0xc5: {  	(tm) =	ssettm $0x7FFFFFFF  }
tec
execute0_lowered:
.L_overlay_start_1:
0x0: {  	(tag) =	ssettag $0x1  }
0x1: {  	s1 =	rddreg [dreg:$0x0]  }
0x2: {  	s0 =	rddreg [dreg:$0x1]  }
0x3: {  	s2 =	rddreg [dreg:$0x2]  }
0x4: {  	s3 =	rddreg [dreg:$0x3]  }
0x5: {  	s4 =	srdreg.scid;
	s11 =	stileid.u32;
	s28 =	simm.s32 $0x17E00  }
0x6: {  	s30 =	simm.s32 $0x19200;
	s29 =	simm.s32 $0x2;
	s31 =	simm.s32 $0x7  }
0x7: {  	s5 =	sand.u32 $0x1, s4;
	s4 =	simm.s32 $0x0;
	s8 =	smul.u32 $0x14000, s11  }
0x8: {  	s9 =	sadd.s32 $0x1200, s2;
	s26 =	smul.u32 $0x50000, s11;
	s16 =	sshll.u32 s11, $0x6  }
0x9: {  	s6 =	smul.u32 $0x140000, s5;
	s7 =	sshll.u32 s5, $0x4;
	[smem:$0x7FF] =	sst s4  }
0xa: {  	s22 =	ssub.s32 $0x2, s5;
	s5 =	smul.u32 $0x27100, s5;
	s7 =	sor.u32 s11, s7  }
0xb: {  	_ =	strace $0x80000047;
	[dreg:$0xa] =	wrdreg s9;
	s7 =	smul.u32 $0x2710, s7  }
0xc: {  	s24 =	sshrl.u32 s22, $0x1;
	s15 =	sshrl.u32 s26, $0x2;
	s6 =	sadd.s32 s8, s6  }
0xd: {  	s8 =	simm.s32 $0x9;
	s6 =	sshrl.u32 s6, $0x3;
	s23 =	sshrl.u32 s7, $0x3  }
0xe: {  	s2 =	sadd.s32 s6, s2;
	s6 =	ssub.s32 s22, s24;
	s12 =	sadd.s32 s0, s23  }
0xf: {  	s10 =	sadd.s32 $0x4E228, s7;
	s2 =	sadd.s32 $0x3A00, s2;
	[dreg:$0xb] =	wrdreg s12  }
0x10: {  	s7 =	sadd.s32 $0x4E278, s7;
	s6 =	smax.u32 s6, $0x1;
	[dreg:$0x13] =	wrdreg s2  }
0x11: {  	s9 =	sshrl.u32 s10, $0x3;
	s25 =	sadd.s32 $0x9C40, s12;
	[dreg:$0x14] =	wrdreg s6  }
0x12: {  	s7 =	sshrl.u32 s7, $0x3;
	s9 =	sadd.s32 s0, s9;
	[dreg:$0xc] =	wrdreg s25  }
0x13: {  	s10 =	smul.u32 $0x2710, s11;
	s13 =	sadd.s32 $0x9C4A, s12;
	[dreg:$0xd] =	wrdreg s9  }
0x14: {  	s11 =	simm.s32 $0x6;
	s7 =	sadd.s32 s0, s7;
	[dreg:$0xe] =	wrdreg s13  }
0x15: {  	s14 =	sadd.s32 $0x9C54, s12;
	s12 =	simm.s32 $0xB;
	[dreg:$0xf] =	wrdreg s7  }
0x16: {  	[dreg:$0x10] =	wrdreg s14;
	s5 =	sadd.s32 s10, s5;
	s7 =	sadd.s32 s15, s3  }
0x17: {  	s13 =	sor.u32 $0x1C0C, s16;
	s16 =	simm.s32 $0x16780;
	s9 =	simm.s32 $0x5  }
0x18: {  	s10 =	simm.s32 $0xA;
	s14 =	simm.s32 $0x0;
	[dreg:$0x11] =	wrdreg s7  }
0x19: {  	s17 =	sadd.s32 $0x4E368, s5;
	s19 =	sadd.s32 $0x4E340, s5;
	s23 =	sadd.s32 $0x4E318, s5  }
0x1a: {  	s25 =	sadd.s32 $0x4E2F0, s5;
	s5 =	sadd.s32 $0x4E2C8, s5;
	[dreg:$0x12] =	wrdreg s13  }
0x1b: {  	s18 =	sshrl.u32 s17, $0x3;
	s21 =	sshrl.u32 s19, $0x3;
	s24 =	sshrl.u32 s23, $0x3  }
0x1c: {  	s7 =	sshrl.u32 s25, $0x3;
	s5 =	sshrl.u32 s5, $0x3;
	s17 =	simm.s32 $0x16800  }
0x1d: {  	s19 =	simm.s32 $0x16900;
	s25 =	simm.s32 $0x16A00;
	s20 =	sadd.s32 s18, s0  }
0x1e: {  	s22 =	sadd.s32 s21, s0;
	s2 =	sadd.s32 s24, s0;
	[dreg:$0x5] =	wrdreg s20  }
0x1f: {  	s26 =	sadd.s32 s7, s0;
	s0 =	sadd.s32 s5, s0;
	[dreg:$0x6] =	wrdreg s22  }
0x20: {  	s18 =	simm.s32 $0x16880;
	s24 =	simm.s32 $0x28;
	[dreg:$0x7] =	wrdreg s2  }
0x21: {  	s5 =	simm.s32 $0x8;
	s7 =	simm.s32 $0x4;
	[dreg:$0x8] =	wrdreg s26  }
0x22: {  	[dreg:$0x9] =	wrdreg s0;
	s20 =	simm.s32 $0x16980;
	s22 =	simm.s32 $0xC  }
0x23: {  	s0 =	simm.s32 $0x1A600;
	s26 =	simm.s32 $0x1BA00;
	s2 =	simm.s32 $0x3  }
.LBB2_1:
0x24: {  	s6 =	rddreg [dreg:$0xc]  }
0x25: {  	s21 =	rddreg [dreg:$0xd]  }
0x26: {  	[tilespmem:s16], [sflag:$0x7] =	stream.linear.gather [hbm4b:s6+s4], $0x28, $0x38;
	[tilespmem:$0x1CE00] =	vst v63  }
0x27: {  	s23 =	rddreg [dreg:$0xe]  }
0x28: {  	[tilespmem:s17], [sflag:$0x8] =	stream.linear.gather [hbm4b:s21+s4], $0x28, $0x38;
	[tilespmem:$0x1CE00] =	vst v63  }
0x29: {  	s15 =	rddreg [dreg:$0xf]  }
0x2a: {  	[tilespmem:s18], [sflag:$0x9] =	stream.linear.gather [hbm4b:s23+s4], $0x28, $0x38;
	[tilespmem:$0x1CE00] =	vst v63  }
0x2b: {  	s21 =	rddreg [dreg:$0x10]  }
0x2c: {  	[tilespmem:s19], [sflag:$0xA] =	stream.linear.gather [hbm4b:s15+s4], $0x28, $0x38;
	[tilespmem:$0x1CE00] =	vst v63  }
0x2d: {  	s23 =	rddreg [dreg:$0xb]  }
0x2e: {  	[tilespmem:s20], [sflag:$0xB] =	stream.linear.gather [hbm4b:s21+s4], $0x28, $0x38;
	[tilespmem:$0x1CE00] =	vst v63  }
0x2f: {  	s15 =	simm.s32 $0x14000;
	s21 =	rddreg [dreg:$0x11]  }
0x30: {  	[tilespmem:s15], [sflag:$0x1] =	stream.linear.gather [hbm4b:s23+s4], $0x2710, $0x38;
	[tilespmem:$0x1CE00] =	vst v63  }
0x31: {  	s21 =	sshrl.u32 s21, $0x3;
	s23 =	rddreg [dreg:$0xa]  }
0x32: {  	[dreg:$0x15] =	wrdreg s21  }
0x33: {  	[spmem:s21], [sflag:s13] =	dma.local [hbm:s23], $0x2800  }
0x34: {  	_ =	swait.ge [sflag:s22], $0x2800  }
0x35: {  	[sflag:s22] =	ssyncset.done $0x0  }
0x36: {  	s21 =	simm.s32 $0x1;
	[sflag:s22] =	ssyncadd.s32 $0xFFFFD800  }
0x37: {  	_ =	swait.ge [sflag:s21], $0x2710  }
0x38: {  	[sflag:s21] =	ssyncset.done $0x0  }
0x39: {  	[sflag:s21] =	ssyncadd.s32 $0xFFFFD8F0  }
0x3a: {  	[tilespmem:s25], [sflag:$0x2] =	stream.indirect.gather [hbm4b:s1+s24], $0x80, s15, s24, $0xb8;
	[tilespmem:$0x1CE00] =	vst v63  }
0x3b: {  	s23 =	simm.s32 $0x14028  }
0x3c: {  	[tilespmem:s28], [sflag:$0x3] =	stream.indirect.gather [hbm4b:s1+s24], $0x80, s23, s24, $0xb8;
	[tilespmem:$0x1CE00] =	vst v63  }
0x3d: {  	s13 =	simm.s32 $0x14050  }
0x3e: {  	[tilespmem:s30], [sflag:$0x4] =	stream.indirect.gather [hbm4b:s1+s24], $0x80, s13, s24, $0xb8;
	[tilespmem:$0x1CE00] =	vst v63  }
0x3f: {  	s15 =	simm.s32 $0x14078  }
0x40: {  	[tilespmem:s0], [sflag:$0x5] =	stream.indirect.gather [hbm4b:s1+s24], $0x80, s15, s24, $0xb8;
	[tilespmem:$0x1CE00] =	vst v63  }
0x41: {  	s21 =	simm.s32 $0x140A0  }
0x42: {  	[tilespmem:s26], [sflag:$0x6] =	stream.indirect.gather [hbm4b:s1+s24], $0x80, s21, s24, $0xb8;
	[tilespmem:$0x1CE00] =	vst v63  }
0x43: {  	[bflag:$0x0] =	sbarrier.arrive $0xFFFF  }
0x44: {  	_ =	swait.ge [sflag:s29], $0x1400  }
0x45: {  	[sflag:s29] =	ssyncset.done $0x0  }
0x46: {  	[sflag:s29] =	ssyncadd.s32 $0xFFFFEC00  }
0x47: {  	_ =	swait.ge [sflag:s31], $0x28  }
0x48: {  	[sflag:s31] =	ssyncset.done $0x0  }
0x49: {  	[sflag:s31] =	ssyncadd.s32 $0xFFFFFFD8  }
0x4a: {  	[spmem:s3] =	stream.indirect.scatter.add.f32 [tilespmem:s25], [sflag:$0xC], $0x80, s16, s24, $0xb8;
	[tilespmem:$0x1CE00] =	vst v63  }
0x4b: {  	_ =	swait.ge [sflag:s22], $0x1400  }
0x4c: {  	s23 =	rddreg [dreg:$0x9];
	[sflag:s22] =	ssyncset.done $0x0  }
0x4d: {  	[sflag:s22] =	ssyncadd.s32 $0xFFFFEC00;
	s13 =	sadd.s32 $0x0, s23  }
0x4e: {  	[tilespmem:s16], [sflag:$0x7] =	stream.linear.gather [hbm4b:s13+s4], $0x28, $0x38;
	[tilespmem:$0x1CE00] =	vst v63  }
0x4f: {  	s6 =	simm.s32 $0x140C8  }
0x50: {  	[tilespmem:s25], [sflag:$0x2] =	stream.indirect.gather [hbm4b:s1+s24], $0x80, s6, s24, $0xb8;
	[tilespmem:$0x1CE00] =	vst v63  }
0x51: {  	_ =	swait.ge [sflag:s2], $0x1400  }
0x52: {  	[sflag:s2] =	ssyncset.done $0x0  }
0x53: {  	[sflag:s2] =	ssyncadd.s32 $0xFFFFEC00  }
0x54: {  	_ =	swait.ge [sflag:s5], $0x28  }
0x55: {  	[sflag:s5] =	ssyncset.done $0x0  }
0x56: {  	[sflag:s5] =	ssyncadd.s32 $0xFFFFFFD8  }
0x57: {  	[spmem:s3] =	stream.indirect.scatter.add.f32 [tilespmem:s28], [sflag:$0xC], $0x80, s17, s24, $0xb8;
	[tilespmem:$0x1CE00] =	vst v63  }
0x58: {  	_ =	swait.ge [sflag:s22], $0x1400  }
0x59: {  	s15 =	rddreg [dreg:$0x8];
	[sflag:s22] =	ssyncset.done $0x0  }
0x5a: {  	[sflag:s22] =	ssyncadd.s32 $0xFFFFEC00;
	s13 =	sadd.s32 $0x0, s15  }
0x5b: {  	[tilespmem:s17], [sflag:$0x8] =	stream.linear.gather [hbm4b:s13+s4], $0x28, $0x38;
	[tilespmem:$0x1CE00] =	vst v63  }
0x5c: {  	s21 =	simm.s32 $0x140F0  }
0x5d: {  	[tilespmem:s28], [sflag:$0x3] =	stream.indirect.gather [hbm4b:s1+s24], $0x80, s21, s24, $0xb8;
	[tilespmem:$0x1CE00] =	vst v63  }
0x5e: {  	_ =	swait.ge [sflag:s7], $0x1400  }
0x5f: {  	[sflag:s7] =	ssyncset.done $0x0  }
0x60: {  	[sflag:s7] =	ssyncadd.s32 $0xFFFFEC00  }
0x61: {  	_ =	swait.ge [sflag:s8], $0x28  }
0x62: {  	[sflag:s8] =	ssyncset.done $0x0  }
0x63: {  	[sflag:s8] =	ssyncadd.s32 $0xFFFFFFD8  }
0x64: {  	[spmem:s3] =	stream.indirect.scatter.add.f32 [tilespmem:s30], [sflag:$0xC], $0x80, s18, s24, $0xb8;
	[tilespmem:$0x1CE00] =	vst v63  }
0x65: {  	_ =	swait.ge [sflag:s22], $0x1400  }
0x66: {  	s23 =	rddreg [dreg:$0x7];
	[sflag:s22] =	ssyncset.done $0x0  }
0x67: {  	[sflag:s22] =	ssyncadd.s32 $0xFFFFEC00;
	s13 =	sadd.s32 $0x0, s23  }
0x68: {  	[tilespmem:s18], [sflag:$0x9] =	stream.linear.gather [hbm4b:s13+s4], $0x28, $0x38;
	[tilespmem:$0x1CE00] =	vst v63  }
0x69: {  	s6 =	simm.s32 $0x14118  }
0x6a: {  	[tilespmem:s30], [sflag:$0x4] =	stream.indirect.gather [hbm4b:s1+s24], $0x80, s6, s24, $0xb8;
	[tilespmem:$0x1CE00] =	vst v63  }
0x6b: {  	_ =	swait.ge [sflag:s9], $0x1400  }
0x6c: {  	[sflag:s9] =	ssyncset.done $0x0  }
0x6d: {  	[sflag:s9] =	ssyncadd.s32 $0xFFFFEC00  }
0x6e: {  	_ =	swait.ge [sflag:s10], $0x28  }
0x6f: {  	[sflag:s10] =	ssyncset.done $0x0  }
0x70: {  	[sflag:s10] =	ssyncadd.s32 $0xFFFFFFD8  }
0x71: {  	[spmem:s3] =	stream.indirect.scatter.add.f32 [tilespmem:s0], [sflag:$0xC], $0x80, s19, s24, $0xb8;
	[tilespmem:$0x1CE00] =	vst v63  }
0x72: {  	_ =	swait.ge [sflag:s22], $0x1400  }
0x73: {  	s15 =	rddreg [dreg:$0x6];
	[sflag:s22] =	ssyncset.done $0x0  }
0x74: {  	[sflag:s22] =	ssyncadd.s32 $0xFFFFEC00;
	s13 =	sadd.s32 $0x0, s15  }
0x75: {  	[tilespmem:s19], [sflag:$0xA] =	stream.linear.gather [hbm4b:s13+s4], $0x28, $0x38;
	[tilespmem:$0x1CE00] =	vst v63  }
0x76: {  	s21 =	simm.s32 $0x14140  }
0x77: {  	[tilespmem:s0], [sflag:$0x5] =	stream.indirect.gather [hbm4b:s1+s24], $0x80, s21, s24, $0xb8;
	[tilespmem:$0x1CE00] =	vst v63  }
0x78: {  	_ =	swait.ge [sflag:s11], $0x1400  }
0x79: {  	[sflag:s11] =	ssyncset.done $0x0  }
0x7a: {  	[sflag:s11] =	ssyncadd.s32 $0xFFFFEC00  }
0x7b: {  	_ =	swait.ge [sflag:s12], $0x28  }
0x7c: {  	[sflag:s12] =	ssyncset.done $0x0  }
0x7d: {  	[sflag:s12] =	ssyncadd.s32 $0xFFFFFFD8  }
0x7e: {  	[spmem:s3] =	stream.indirect.scatter.add.f32 [tilespmem:s26], [sflag:$0xC], $0x80, s20, s24, $0xb8;
	[tilespmem:$0x1CE00] =	vst v63  }
0x7f: {  	s15 =	simm.s32 $0x14168;
	_ =	swait.ge [sflag:s22], $0x1400  }
0x80: {  	s21 =	simm.s32 $0x19;
	s23 =	rddreg [dreg:$0x5];
	[sflag:s22] =	ssyncset.done $0x0  }
0x81: {  	[sflag:s22] =	ssyncadd.s32 $0xFFFFEC00;
	s13 =	sadd.s32 $0x0, s23;
	s23 =	simm.s32 $0x14230  }
0x82: {  	[tilespmem:s20], [sflag:$0xB] =	stream.linear.gather [hbm4b:s13+s4], $0x28, $0x38;
	[tilespmem:$0x1CE00] =	vst v63  }
.LBB2_2:
0x83: {  	[tilespmem:s26], [sflag:$0x6] =	stream.indirect.gather [hbm4b:s1+s24], $0x80, s15, s24, $0xb8;
	[tilespmem:$0x1CE00] =	vst v63  }
0x84: {  	_ =	swait.ge [sflag:s29], $0x1400  }
0x85: {  	[sflag:s29] =	ssyncset.done $0x0  }
0x86: {  	[sflag:s29] =	ssyncadd.s32 $0xFFFFEC00  }
0x87: {  	_ =	swait.ge [sflag:s31], $0x28  }
0x88: {  	[sflag:s31] =	ssyncset.done $0x0  }
0x89: {  	[sflag:s31] =	ssyncadd.s32 $0xFFFFFFD8  }
0x8a: {  	[spmem:s3] =	stream.indirect.scatter.add.f32 [tilespmem:s25], [sflag:$0xC], $0x80, s16, s24, $0xb8;
	[tilespmem:$0x1CE00] =	vst v63  }
0x8b: {  	_ =	swait.ge [sflag:s22], $0x1400  }
0x8c: {  	s13 =	smov.u32 s21;
	s6 =	rddreg [dreg:$0x9];
	[sflag:s22] =	ssyncset.done $0x0  }
0x8d: {  	[sflag:s22] =	ssyncadd.s32 $0xFFFFEC00;
	s6 =	sadd.s32 s13, s6  }
0x8e: {  	[tilespmem:s16], [sflag:$0x7] =	stream.linear.gather [hbm4b:s6+s4], $0x28, $0x38;
	[tilespmem:$0x1CE00] =	vst v63  }
0x8f: {  	s6 =	sadd.s32 $0xFFFFFF60, s23  }
0x90: {  	[tilespmem:s25], [sflag:$0x2] =	stream.indirect.gather [hbm4b:s1+s24], $0x80, s6, s24, $0xb8;
	[tilespmem:$0x1CE00] =	vst v63  }
0x91: {  	_ =	swait.ge [sflag:s2], $0x1400  }
0x92: {  	[sflag:s2] =	ssyncset.done $0x0  }
0x93: {  	[sflag:s2] =	ssyncadd.s32 $0xFFFFEC00  }
0x94: {  	_ =	swait.ge [sflag:s5], $0x28  }
0x95: {  	[sflag:s5] =	ssyncset.done $0x0  }
0x96: {  	[sflag:s5] =	ssyncadd.s32 $0xFFFFFFD8  }
0x97: {  	[spmem:s3] =	stream.indirect.scatter.add.f32 [tilespmem:s28], [sflag:$0xC], $0x80, s17, s24, $0xb8;
	[tilespmem:$0x1CE00] =	vst v63  }
0x98: {  	_ =	swait.ge [sflag:s22], $0x1400  }
0x99: {  	s6 =	rddreg [dreg:$0x8];
	[sflag:s22] =	ssyncset.done $0x0  }
0x9a: {  	[sflag:s22] =	ssyncadd.s32 $0xFFFFEC00;
	s6 =	sadd.s32 s13, s6  }
0x9b: {  	[tilespmem:s17], [sflag:$0x8] =	stream.linear.gather [hbm4b:s6+s4], $0x28, $0x38;
	[tilespmem:$0x1CE00] =	vst v63  }
0x9c: {  	s6 =	sadd.s32 $0xFFFFFF88, s23  }
0x9d: {  	[tilespmem:s28], [sflag:$0x3] =	stream.indirect.gather [hbm4b:s1+s24], $0x80, s6, s24, $0xb8;
	[tilespmem:$0x1CE00] =	vst v63  }
0x9e: {  	_ =	swait.ge [sflag:s7], $0x1400  }
0x9f: {  	[sflag:s7] =	ssyncset.done $0x0  }
0xa0: {  	[sflag:s7] =	ssyncadd.s32 $0xFFFFEC00  }
0xa1: {  	_ =	swait.ge [sflag:s8], $0x28  }
0xa2: {  	[sflag:s8] =	ssyncset.done $0x0  }
0xa3: {  	[sflag:s8] =	ssyncadd.s32 $0xFFFFFFD8  }
0xa4: {  	[spmem:s3] =	stream.indirect.scatter.add.f32 [tilespmem:s30], [sflag:$0xC], $0x80, s18, s24, $0xb8;
	[tilespmem:$0x1CE00] =	vst v63  }
0xa5: {  	_ =	swait.ge [sflag:s22], $0x1400  }
0xa6: {  	s6 =	rddreg [dreg:$0x7];
	[sflag:s22] =	ssyncset.done $0x0  }
0xa7: {  	[sflag:s22] =	ssyncadd.s32 $0xFFFFEC00;
	s6 =	sadd.s32 s13, s6  }
0xa8: {  	[tilespmem:s18], [sflag:$0x9] =	stream.linear.gather [hbm4b:s6+s4], $0x28, $0x38;
	[tilespmem:$0x1CE00] =	vst v63  }
0xa9: {  	s6 =	sadd.s32 $0xFFFFFFB0, s23  }
0xaa: {  	[tilespmem:s30], [sflag:$0x4] =	stream.indirect.gather [hbm4b:s1+s24], $0x80, s6, s24, $0xb8;
	[tilespmem:$0x1CE00] =	vst v63  }
0xab: {  	_ =	swait.ge [sflag:s9], $0x1400  }
0xac: {  	[sflag:s9] =	ssyncset.done $0x0  }
0xad: {  	[sflag:s9] =	ssyncadd.s32 $0xFFFFEC00  }
0xae: {  	_ =	swait.ge [sflag:s10], $0x28  }
0xaf: {  	[sflag:s10] =	ssyncset.done $0x0  }
0xb0: {  	[sflag:s10] =	ssyncadd.s32 $0xFFFFFFD8  }
0xb1: {  	[spmem:s3] =	stream.indirect.scatter.add.f32 [tilespmem:s0], [sflag:$0xC], $0x80, s19, s24, $0xb8;
	[tilespmem:$0x1CE00] =	vst v63  }
0xb2: {  	_ =	swait.ge [sflag:s22], $0x1400  }
0xb3: {  	s6 =	rddreg [dreg:$0x6];
	[sflag:s22] =	ssyncset.done $0x0  }
0xb4: {  	[sflag:s22] =	ssyncadd.s32 $0xFFFFEC00;
	s6 =	sadd.s32 s13, s6  }
0xb5: {  	[tilespmem:s19], [sflag:$0xA] =	stream.linear.gather [hbm4b:s6+s4], $0x28, $0x38;
	[tilespmem:$0x1CE00] =	vst v63  }
0xb6: {  	s6 =	sadd.s32 $0xFFFFFFD8, s23  }
0xb7: {  	[tilespmem:s0], [sflag:$0x5] =	stream.indirect.gather [hbm4b:s1+s24], $0x80, s6, s24, $0xb8;
	[tilespmem:$0x1CE00] =	vst v63  }
0xb8: {  	_ =	swait.ge [sflag:s11], $0x1400  }
0xb9: {  	[sflag:s11] =	ssyncset.done $0x0  }
0xba: {  	[sflag:s11] =	ssyncadd.s32 $0xFFFFEC00  }
0xbb: {  	_ =	swait.ge [sflag:s12], $0x28  }
0xbc: {  	[sflag:s12] =	ssyncset.done $0x0  }
0xbd: {  	p0 =	sne.s32 s21, $0x4B0;
	[sflag:s12] =	ssyncadd.s32 $0xFFFFFFD8  }
0xbe: {  	[spmem:s3] =	stream.indirect.scatter.add.f32 [tilespmem:s26], [sflag:$0xC], $0x80, s20, s24, $0xb8;
	[tilespmem:$0x1CE00] =	vst v63  }
.Ltmp0:
0xbf: {  	_ = 	snop;
	(pc) =	sbr.rel @p0 .LBB2_2-.Ltmp0, $4  }
0xc0: {  	s15 =	smov.u32 s23;
	_ =	swait.ge [sflag:s22], $0x1400  }
0xc1: {  	s21 =	sadd.s32 $0x19, s21;
	s6 =	rddreg [dreg:$0x5];
	[sflag:s22] =	ssyncset.done $0x0  }
0xc2: {  	s23 =	sadd.s32 $0xC8, s23;
	[sflag:s22] =	ssyncadd.s32 $0xFFFFEC00;
	s6 =	sadd.s32 s13, s6  }
0xc3: {  	[tilespmem:s20], [sflag:$0xB] =	stream.linear.gather [hbm4b:s6+s4], $0x28, $0x38;
	[tilespmem:$0x1CE00] =	vst v63  }
0xc4: {  	[tilespmem:s26], [sflag:$0x6] =	stream.indirect.gather [hbm4b:s1+s24], $0x80, s15, s24, $0xb8;
	[tilespmem:$0x1CE00] =	vst v63  }
0xc5: {  	_ =	swait.ge [sflag:s29], $0x1400  }
0xc6: {  	[sflag:s29] =	ssyncset.done $0x0  }
0xc7: {  	[sflag:s29] =	ssyncadd.s32 $0xFFFFEC00  }
0xc8: {  	_ =	swait.ge [sflag:s31], $0x28  }
0xc9: {  	[sflag:s31] =	ssyncset.done $0x0  }
0xca: {  	[sflag:s31] =	ssyncadd.s32 $0xFFFFFFD8  }
0xcb: {  	[spmem:s3] =	stream.indirect.scatter.add.f32 [tilespmem:s25], [sflag:$0xC], $0x80, s16, s24, $0xb8;
	[tilespmem:$0x1CE00] =	vst v63  }
0xcc: {  	_ =	swait.ge [sflag:s22], $0x1400  }
0xcd: {  	[sflag:s22] =	ssyncset.done $0x0  }
0xce: {  	[sflag:s22] =	ssyncadd.s32 $0xFFFFEC00  }
0xcf: {  	_ =	swait.ge [sflag:s2], $0x1400  }
0xd0: {  	[sflag:s2] =	ssyncset.done $0x0  }
0xd1: {  	[sflag:s2] =	ssyncadd.s32 $0xFFFFEC00  }
0xd2: {  	_ =	swait.ge [sflag:s5], $0x28  }
0xd3: {  	[sflag:s5] =	ssyncset.done $0x0  }
0xd4: {  	[sflag:s5] =	ssyncadd.s32 $0xFFFFFFD8  }
0xd5: {  	[spmem:s3] =	stream.indirect.scatter.add.f32 [tilespmem:s28], [sflag:$0xC], $0x80, s17, s24, $0xb8;
	[tilespmem:$0x1CE00] =	vst v63  }
0xd6: {  	_ =	swait.ge [sflag:s22], $0x1400  }
0xd7: {  	[sflag:s22] =	ssyncset.done $0x0  }
0xd8: {  	[sflag:s22] =	ssyncadd.s32 $0xFFFFEC00  }
0xd9: {  	_ =	swait.ge [sflag:s7], $0x1400  }
0xda: {  	[sflag:s7] =	ssyncset.done $0x0  }
0xdb: {  	[sflag:s7] =	ssyncadd.s32 $0xFFFFEC00  }
0xdc: {  	_ =	swait.ge [sflag:s8], $0x28  }
0xdd: {  	[sflag:s8] =	ssyncset.done $0x0  }
0xde: {  	[sflag:s8] =	ssyncadd.s32 $0xFFFFFFD8  }
0xdf: {  	[spmem:s3] =	stream.indirect.scatter.add.f32 [tilespmem:s30], [sflag:$0xC], $0x80, s18, s24, $0xb8;
	[tilespmem:$0x1CE00] =	vst v63  }
0xe0: {  	_ =	swait.ge [sflag:s22], $0x1400  }
0xe1: {  	[sflag:s22] =	ssyncset.done $0x0  }
0xe2: {  	[sflag:s22] =	ssyncadd.s32 $0xFFFFEC00  }
0xe3: {  	_ =	swait.ge [sflag:s9], $0x1400  }
0xe4: {  	[sflag:s9] =	ssyncset.done $0x0  }
0xe5: {  	[sflag:s9] =	ssyncadd.s32 $0xFFFFEC00  }
0xe6: {  	_ =	swait.ge [sflag:s10], $0x28  }
0xe7: {  	[sflag:s10] =	ssyncset.done $0x0  }
0xe8: {  	[sflag:s10] =	ssyncadd.s32 $0xFFFFFFD8  }
0xe9: {  	[spmem:s3] =	stream.indirect.scatter.add.f32 [tilespmem:s0], [sflag:$0xC], $0x80, s19, s24, $0xb8;
	[tilespmem:$0x1CE00] =	vst v63  }
0xea: {  	_ =	swait.ge [sflag:s22], $0x1400  }
0xeb: {  	[sflag:s22] =	ssyncset.done $0x0  }
0xec: {  	[sflag:s22] =	ssyncadd.s32 $0xFFFFEC00  }
0xed: {  	_ =	swait.ge [sflag:s11], $0x1400  }
0xee: {  	[sflag:s11] =	ssyncset.done $0x0  }
0xef: {  	[sflag:s11] =	ssyncadd.s32 $0xFFFFEC00  }
0xf0: {  	_ =	swait.ge [sflag:s12], $0x28  }
0xf1: {  	[sflag:s12] =	ssyncset.done $0x0  }
0xf2: {  	[sflag:s12] =	ssyncadd.s32 $0xFFFFFFD8  }
0xf3: {  	[spmem:s3] =	stream.indirect.scatter.add.f32 [tilespmem:s26], [sflag:$0xC], $0x80, s20, s24, $0xb8;
	[tilespmem:$0x1CE00] =	vst v63  }
0xf4: {  	_ =	swait.ge [sflag:s22], $0x1400  }
0xf5: {  	[sflag:s22] =	ssyncset.done $0x0  }
0xf6: {  	[sflag:s22] =	ssyncadd.s32 $0xFFFFEC00  }
0xf7: {  	[bflag:$0x0] =	sbarrier.arrive $0xFFFF  }
0xf8: {  	s13 =	rddreg [dreg:$0x12]  }
0xf9: {  	s6 =	rddreg [dreg:$0x13]  }
0xfa: {  	s21 =	rddreg [dreg:$0x15]  }
0xfb: {  	[hbm:s6], [sflag:s13] =	dma.local [spmem:s21], $0x2800  }
0xfc: {  	_ =	swait.ge [sflag:s22], $0x2800  }
0xfd: {  	s14 =	sadd.s32 $0x1, s14;
	s23 =	rddreg [dreg:$0x14]  }
0xfe: {  	p0 =	sne.s32 s14, s23  }
.Ltmp1:
0xff: {  	_ = 	snop;
	(pc) =	sbr.rel @p0 .LBB2_1-.Ltmp1, $3  }
0x100: {  	_ =	sdelay $0x1  }
0x101: {  	[sflag:s22] =	ssyncset.done $0x0  }
0x102: {  	[sflag:s22] =	ssyncadd.s32 $0xFFFFD800  }
0x103: {  	_ =	sfence.sel $0x180000  }
0x104: {  	[bflag:$0x0] =	sbarrier.arrive $0xFFFF  }
0x105: {  	_ =	strace $0x90000047  }
0x106: {  	s0 =	stileid.u32;
	[bflag:$0x2] =	sbarrier.arrive $0xFFFF  }
0x107: {  	p0 =	sne.s32 s0, $0x0;
	s0 =	rddreg [dreg:$0x4]  }
0x108: {  	s0 =	sadd.s32 @!p0 $0x100000, s0  }
0x109: {  	[sflag:s0] =	ssyncadd.tile.s32 @!p0 $0x1;
	_ =	shalt  }
.Lfunc_end2:
_tile_overlayer_lowered:
.L_overlay_start_2:
0x10a: {  	(tag) =	ssettag $0x2  }
0x10b: {  	s0 =	rddreg [dreg:$0x0];
	s2 =	stileid.u32  }
0x10c: {  	s1 =	rddreg [dreg:$0x1];
	p0 =	sne.s32 s2, $0x0  }
0x10d: {  	s3 =	rddreg [dreg:$0x2];
	[bflag:$0x3] =	sbarrier.arrive $0xFFFF;
	s2 =	simm.s32 @!p0 $0x1C0C  }
0x10e: {  	[timem:s3], [sflag:s2] =	dma.local @!p0 [hbm:s0], s1  }
0x10f: {  	s0 =	simm.s32 @!p0 $0xC  }
0x110: {  	_ =	swait.ge @!p0 [sflag:s0], s1  }
0x111: {  	s1 =	ssub.s32 @!p0 $0x0, s1;
	[sflag:s0] =	ssyncset.done @!p0 $0x0  }
0x112: {  	[sflag:s0] =	ssyncadd.s32 @!p0 s1  }
0x113: {  	[bflag:$0x3] =	sbarrier.arrive $0xFFFF  }
0x114: {  	_ =	shalt  }

</sc_bundles>
